<compile_context>
chip_gen: v7x
topology: tpu7x:2x2x1
jax: 0.10.2.dev20260603
libtpu: 0.0.44.dev20260713+nightly
codegen_flags: <defaults>
</compile_context>

<pallas_src>
import functools

import jax
import jax.numpy as jnp
from jax import lax
from jax.experimental import pallas as pl
from jax.experimental.pallas import tpu as pltpu
from jax.experimental.pallas import tpu_sc as plsc

_B, _S, _C, _T = 16, 4, 2, 64000
_NROWS = _B * _S
_NC, _NS = 2, 16
_NW = _NC * _NS
_RPW = _NROWS // _NW
_CW = 16000
_CPR = _T // _CW
_CPW = _RPW * _CPR
_NBUF = 4
_LOOKAHEAD = 2

_SRC_ROWS = [
    4, 9, 22, 63, 12, 61, 30, 19, 36, 41, 42, 23, 44, 1, 2, 15,
    20, 17, 6, 11, 60, 45, 18, 43, 0, 49, 10, 47, 56, 21, 54, 51,
    8, 29, 50, 31, 48, 37, 26, 27, 24, 53, 14, 3, 28, 25, 34, 59,
    52, 13, 46, 55, 40, 57, 58, 7, 16, 5, 62, 39, 32, 33, 38, 35,
]


def _make_shuffle():
    mesh = plsc.VectorSubcoreMesh(
        core_axis_name="c", subcore_axis_name="s",
        num_cores=_NC, num_subcores=_NS,
    )

    @functools.partial(
        pl.kernel,
        out_type=jax.ShapeDtypeStruct((_B, _S, _C, _T), jnp.float32),
        mesh=mesh,
        scratch_types=(
            [pltpu.VMEM((_NBUF, _C, _CW), jnp.float32)]
            + [pltpu.SemaphoreType.DMA] * (2 * _NBUF)
        ),
        compiler_params=pltpu.CompilerParams(
            use_tc_tiling_on_sc=True, skip_device_barrier=True),
    )
    def shuffle(x_hbm, out_hbm, buf, *sems):
        in_sems = sems[:_NBUF]
        out_sems = sems[_NBUF:]
        wid = lax.axis_index("s") * _NC + lax.axis_index("c")

        packed = [_SRC_ROWS[w * _RPW] + 64 * _SRC_ROWS[w * _RPW + 1]
                  for w in range(_NW)]
        acc = jnp.int32(packed[0])
        for w in range(1, _NW):
            acc = jnp.where(wid == w, jnp.int32(packed[w]), acc)
        src = [acc % 64, acc // 64]
        dst0 = wid * _RPW

        def src_slice(k):
            r_local, c = divmod(k, _CPR)
            return x_hbm.at[src[r_local] // _S, src[r_local] % _S,
                            :, pl.ds(c * _CW, _CW)]

        def dst_slice(k):
            r_local, c = divmod(k, _CPR)
            r = dst0 + r_local
            return out_hbm.at[r // _S, r % _S, :, pl.ds(c * _CW, _CW)]

        in_cps = [None] * _CPW
        out_cps = [None] * _CPW
        out_waited = [False] * _CPW

        def start_in(j):
            cp = pltpu.make_async_copy(
                src_slice(j), buf.at[j % _NBUF], in_sems[j % _NBUF])
            cp.start()
            in_cps[j] = cp

        for j in range(min(_LOOKAHEAD, _CPW)):
            start_in(j)
        for k in range(_CPW):
            in_cps[k].wait()
            cp = pltpu.make_async_copy(
                buf.at[k % _NBUF], dst_slice(k), out_sems[k % _NBUF])
            cp.start()
            out_cps[k] = cp
            j = k + _LOOKAHEAD
            if j < _CPW:
                if j - _NBUF >= 0:
                    out_cps[j - _NBUF].wait()
                    out_waited[j - _NBUF] = True
                start_in(j)
        for k in range(_CPW):
            if not out_waited[k]:
                out_cps[k].wait()

    return shuffle


_shuffle = _make_shuffle()


def kernel(signals):
    return _shuffle(signals)

# --- scband reference (transcript-rebuilt; emitter-appended) ---
"""Pipeline reference for scband-source-shuffling-4243427689006 (READ-ONLY COPY).

The authoritative reference and input builder live on the scoring server;
editing this copy changes nothing except your own understanding.
"""

import jax, jax.numpy as jnp
import numpy as np


def setup_inputs(seed: int = 0) -> dict:
    key = jax.random.key(seed)
    signals = jax.random.normal(key, (16, 4, 2, 64000), dtype=jnp.float32)
    return {"signals": signals}


def reference(signals):
    # Shuffles the sources along B: for each source s, apply an independent
    # random permutation of the batch dimension.
    B, S, C, T = signals.shape
    pkey = jax.random.key(42)
    # index: (B, S) where column s is a permutation of range(B)
    idx = jnp.stack(
        [jax.random.permutation(jax.random.fold_in(pkey, s), B) for s in range(S)],
        axis=1,
    )
    s_idx = jnp.arange(S)[None, :]  # (1, S) broadcasts against (B, S)
    # Equivalent of torch gather along dim 0 with index expanded over C, T:
    # out[b, s, c, t] = signals[idx[b, s], s, c, t]
    out = signals[idx, s_idx, :, :]
    return out

if __name__ == "__main__":
    import jax
    _d = setup_inputs()
    print(jax.jit(kernel)(*tuple(_d.values())))

</pallas_src>

<mosaic_0001>
#map = affine_map<(d0, d1) -> (0, 0, 0, 0)>
module attributes {stable_mosaic.version = 14 : i64} {
  func.func @shuffle(%arg0: i32, %arg1: i32, %arg2: memref<16x4x2x64000xf32, #tpu.memory_space<hbm>>, %arg3: memref<16x4x2x64000xf32, #tpu.memory_space<hbm>>, %arg4: memref<4x2x16000xf32, #tpu.memory_space<vmem>>, %arg5: memref<!tpu.dma_semaphore, #tpu.memory_space<semaphore_mem>>, %arg6: memref<!tpu.dma_semaphore, #tpu.memory_space<semaphore_mem>>, %arg7: memref<!tpu.dma_semaphore, #tpu.memory_space<semaphore_mem>>, %arg8: memref<!tpu.dma_semaphore, #tpu.memory_space<semaphore_mem>>, %arg9: memref<!tpu.dma_semaphore, #tpu.memory_space<semaphore_mem>>, %arg10: memref<!tpu.dma_semaphore, #tpu.memory_space<semaphore_mem>>, %arg11: memref<!tpu.dma_semaphore, #tpu.memory_space<semaphore_mem>>, %arg12: memref<!tpu.dma_semaphore, #tpu.memory_space<semaphore_mem>>) attributes {dimension_semantics = [#tpu.dimension_semantics<core_parallel>, #tpu.dimension_semantics<subcore_parallel>], iteration_bounds = array<i64: 2, 16>, scalar_prefetch = 0 : i64, scratch_operands = 9 : i64, tpu.core_type = #tpu.core_type<sc_vector_subcore>, window_params = [{transform_indices = #map}, {transform_indices = #map}]} {
    %mul3A = arith.constant 2 : i32
    %mul3A_0 = arith.muli %arg1, %mul3A : i32
    %add3A = arith.addi %mul3A_0, %arg0 : i32
    %eq3A = arith.constant 1 : i32
    %eq3A_1 = arith.cmpi eq, %add3A, %eq3A : i32
    %jit3A = arith.constant 4054 : i32
    %jit3A_2 = arith.constant 580 : i32
    %select_n3A = arith.select %eq3A_1, %jit3A, %jit3A_2 : i32
    %eq3A_3 = arith.constant 2 : i32
    %eq3A_4 = arith.cmpi eq, %add3A, %eq3A_3 : i32
    %jit3A_5 = arith.constant 3916 : i32
    %select_n3A_6 = arith.select %eq3A_4, %jit3A_5, %select_n3A : i32
    %eq3A_7 = arith.constant 3 : i32
    %eq3A_8 = arith.cmpi eq, %add3A, %eq3A_7 : i32
    %jit3A_9 = arith.constant 1246 : i32
    %select_n3A_10 = arith.select %eq3A_8, %jit3A_9, %select_n3A_6 : i32
    %eq3A_11 = arith.constant 4 : i32
    %eq3A_12 = arith.cmpi eq, %add3A, %eq3A_11 : i32
    %jit3A_13 = arith.constant 2660 : i32
    %select_n3A_14 = arith.select %eq3A_12, %jit3A_13, %select_n3A_10 : i32
    %eq3A_15 = arith.constant 5 : i32
    %eq3A_16 = arith.cmpi eq, %add3A, %eq3A_15 : i32
    %jit3A_17 = arith.constant 1514 : i32
    %select_n3A_18 = arith.select %eq3A_16, %jit3A_17, %select_n3A_14 : i32
    %eq3A_19 = arith.constant 6 : i32
    %eq3A_20 = arith.cmpi eq, %add3A, %eq3A_19 : i32
    %jit3A_21 = arith.constant 108 : i32
    %select_n3A_22 = arith.select %eq3A_20, %jit3A_21, %select_n3A_18 : i32
    %eq3A_23 = arith.constant 7 : i32
    %eq3A_24 = arith.cmpi eq, %add3A, %eq3A_23 : i32
    %jit3A_25 = arith.constant 962 : i32
    %select_n3A_26 = arith.select %eq3A_24, %jit3A_25, %select_n3A_22 : i32
    %eq3A_27 = arith.constant 8 : i32
    %eq3A_28 = arith.cmpi eq, %add3A, %eq3A_27 : i32
    %jit3A_29 = arith.constant 1108 : i32
    %select_n3A_30 = arith.select %eq3A_28, %jit3A_29, %select_n3A_26 : i32
    %eq3A_31 = arith.constant 9 : i32
    %eq3A_32 = arith.cmpi eq, %add3A, %eq3A_31 : i32
    %jit3A_33 = arith.constant 710 : i32
    %select_n3A_34 = arith.select %eq3A_32, %jit3A_33, %select_n3A_30 : i32
    %eq3A_35 = arith.constant 10 : i32
    %eq3A_36 = arith.cmpi eq, %add3A, %eq3A_35 : i32
    %jit3A_37 = arith.constant 2940 : i32
    %select_n3A_38 = arith.select %eq3A_36, %jit3A_37, %select_n3A_34 : i32
    %eq3A_39 = arith.constant 11 : i32
    %eq3A_40 = arith.cmpi eq, %add3A, %eq3A_39 : i32
    %jit3A_41 = arith.constant 2770 : i32
    %select_n3A_42 = arith.select %eq3A_40, %jit3A_41, %select_n3A_38 : i32
    %eq3A_43 = arith.constant 12 : i32
    %eq3A_44 = arith.cmpi eq, %add3A, %eq3A_43 : i32
    %jit3A_45 = arith.constant 3136 : i32
    %select_n3A_46 = arith.select %eq3A_44, %jit3A_45, %select_n3A_42 : i32
    %eq3A_47 = arith.constant 13 : i32
    %eq3A_48 = arith.cmpi eq, %add3A, %eq3A_47 : i32
    %jit3A_49 = arith.constant 3018 : i32
    %select_n3A_50 = arith.select %eq3A_48, %jit3A_49, %select_n3A_46 : i32
    %eq3A_51 = arith.constant 14 : i32
    %eq3A_52 = arith.cmpi eq, %add3A, %eq3A_51 : i32
    %jit3A_53 = arith.constant 1400 : i32
    %select_n3A_54 = arith.select %eq3A_52, %jit3A_53, %select_n3A_50 : i32
    %eq3A_55 = arith.constant 15 : i32
    %eq3A_56 = arith.cmpi eq, %add3A, %eq3A_55 : i32
    %jit3A_57 = arith.constant 3318 : i32
    %select_n3A_58 = arith.select %eq3A_56, %jit3A_57, %select_n3A_54 : i32
    %eq3A_59 = arith.constant 16 : i32
    %eq3A_60 = arith.cmpi eq, %add3A, %eq3A_59 : i32
    %jit3A_61 = arith.constant 1864 : i32
    %select_n3A_62 = arith.select %eq3A_60, %jit3A_61, %select_n3A_58 : i32
    %eq3A_63 = arith.constant 17 : i32
    %eq3A_64 = arith.cmpi eq, %add3A, %eq3A_63 : i32
    %jit3A_65 = arith.constant 2034 : i32
    %select_n3A_66 = arith.select %eq3A_64, %jit3A_65, %select_n3A_62 : i32
    %eq3A_67 = arith.constant 18 : i32
    %eq3A_68 = arith.cmpi eq, %add3A, %eq3A_67 : i32
    %jit3A_69 = arith.constant 2416 : i32
    %select_n3A_70 = arith.select %eq3A_68, %jit3A_69, %select_n3A_66 : i32
    %eq3A_71 = arith.constant 19 : i32
    %eq3A_72 = arith.cmpi eq, %add3A, %eq3A_71 : i32
    %jit3A_73 = arith.constant 1754 : i32
    %select_n3A_74 = arith.select %eq3A_72, %jit3A_73, %select_n3A_70 : i32
    %eq3A_75 = arith.constant 20 : i32
    %eq3A_76 = arith.cmpi eq, %add3A, %eq3A_75 : i32
    %jit3A_77 = arith.constant 3416 : i32
    %select_n3A_78 = arith.select %eq3A_76, %jit3A_77, %select_n3A_74 : i32
    %eq3A_79 = arith.constant 21 : i32
    %eq3A_80 = arith.cmpi eq, %add3A, %eq3A_79 : i32
    %jit3A_81 = arith.constant 206 : i32
    %select_n3A_82 = arith.select %eq3A_80, %jit3A_81, %select_n3A_78 : i32
    %eq3A_83 = arith.constant 22 : i32
    %eq3A_84 = arith.cmpi eq, %add3A, %eq3A_83 : i32
    %jit3A_85 = arith.constant 1628 : i32
    %select_n3A_86 = arith.select %eq3A_84, %jit3A_85, %select_n3A_82 : i32
    %eq3A_87 = arith.constant 23 : i32
    %eq3A_88 = arith.cmpi eq, %add3A, %eq3A_87 : i32
    %jit3A_89 = arith.constant 3810 : i32
    %select_n3A_90 = arith.select %eq3A_88, %jit3A_89, %select_n3A_86 : i32
    %eq3A_91 = arith.constant 24 : i32
    %eq3A_92 = arith.cmpi eq, %add3A, %eq3A_91 : i32
    %jit3A_93 = arith.constant 884 : i32
    %select_n3A_94 = arith.select %eq3A_92, %jit3A_93, %select_n3A_90 : i32
    %eq3A_95 = arith.constant 25 : i32
    %eq3A_96 = arith.cmpi eq, %add3A, %eq3A_95 : i32
    %jit3A_97 = arith.constant 3566 : i32
    %select_n3A_98 = arith.select %eq3A_96, %jit3A_97, %select_n3A_94 : i32
    %eq3A_99 = arith.constant 26 : i32
    %eq3A_100 = arith.cmpi eq, %add3A, %eq3A_99 : i32
    %jit3A_101 = arith.constant 3688 : i32
    %select_n3A_102 = arith.select %eq3A_100, %jit3A_101, %select_n3A_98 : i32
    %eq3A_103 = arith.constant 27 : i32
    %eq3A_104 = arith.cmpi eq, %add3A, %eq3A_103 : i32
    %jit3A_105 = arith.constant 506 : i32
    %select_n3A_106 = arith.select %eq3A_104, %jit3A_105, %select_n3A_102 : i32
    %eq3A_107 = arith.constant 28 : i32
    %eq3A_108 = arith.cmpi eq, %add3A, %eq3A_107 : i32
    %jit3A_109 = arith.constant 336 : i32
    %select_n3A_110 = arith.select %eq3A_108, %jit3A_109, %select_n3A_106 : i32
    %eq3A_111 = arith.constant 29 : i32
    %eq3A_112 = arith.cmpi eq, %add3A, %eq3A_111 : i32
    %jit3A_113 = arith.constant 2558 : i32
    %select_n3A_114 = arith.select %eq3A_112, %jit3A_113, %select_n3A_110 : i32
    %eq3A_115 = arith.constant 30 : i32
    %eq3A_116 = arith.cmpi eq, %add3A, %eq3A_115 : i32
    %jit3A_117 = arith.constant 2144 : i32
    %select_n3A_118 = arith.select %eq3A_116, %jit3A_117, %select_n3A_114 : i32
    %eq3A_119 = arith.constant 31 : i32
    %eq3A_120 = arith.cmpi eq, %add3A, %eq3A_119 : i32
    %jit3A_121 = arith.constant 2278 : i32
    %select_n3A_122 = arith.select %eq3A_120, %jit3A_121, %select_n3A_118 : i32
    %jit3A_123 = arith.constant 64 : i32
    %eq3A_124 = arith.constant 0 : i32
    %eq3A_125 = arith.cmpi eq, %jit3A_123, %eq3A_124 : i32
    %jit3A_126 = arith.constant 1 : i32
    %select_n3A_127 = arith.select %eq3A_125, %jit3A_126, %jit3A_123 : i32
    %rem3A = arith.remsi %select_n3A_122, %select_n3A_127 : i32
    %ne3A = arith.constant 0 : i32
    %ne3A_128 = arith.cmpi ne, %rem3A, %ne3A : i32
    %lt3A = arith.constant 0 : i32
    %lt3A_129 = arith.cmpi slt, %rem3A, %lt3A : i32
    %lt3A_130 = arith.constant 0 : i32
    %lt3A_131 = arith.cmpi slt, %select_n3A_127, %lt3A_130 : i32
    %ne3A_132 = arith.xori %lt3A_129, %lt3A_131 : i1
    %and3A = arith.andi %ne3A_132, %ne3A_128 : i1
    %add3A_133 = arith.addi %rem3A, %select_n3A_127 : i32
    %select_n3A_134 = arith.select %and3A, %add3A_133, %rem3A : i32
    %jit3A_135 = arith.constant 64 : i32
    %div3A = arith.divsi %select_n3A_122, %jit3A_135 : i32
    %sign3A = arith.constant 0 : i32
    %sign3A_136 = arith.cmpi sgt, %select_n3A_122, %sign3A : i32
    %sign3A_137 = arith.extui %sign3A_136 : i1 to i32
    %sign3A_138 = arith.constant 0 : i32
    %sign3A_139 = arith.cmpi slt, %select_n3A_122, %sign3A_138 : i32
    %sign3A_140 = arith.extui %sign3A_139 : i1 to i32
    %sign3A_141 = arith.subi %sign3A_137, %sign3A_140 : i32
    %sign3A_142 = arith.constant 0 : i32
    %sign3A_143 = arith.cmpi sgt, %jit3A_135, %sign3A_142 : i32
    %sign3A_144 = arith.extui %sign3A_143 : i1 to i32
    %sign3A_145 = arith.constant 0 : i32
    %sign3A_146 = arith.cmpi slt, %jit3A_135, %sign3A_145 : i32
    %sign3A_147 = arith.extui %sign3A_146 : i1 to i32
    %sign3A_148 = arith.subi %sign3A_144, %sign3A_147 : i32
    %ne3A_149 = arith.cmpi ne, %sign3A_141, %sign3A_148 : i32
    %rem3A_150 = arith.remsi %select_n3A_122, %jit3A_135 : i32
    %ne3A_151 = arith.constant 0 : i32
    %ne3A_152 = arith.cmpi ne, %rem3A_150, %ne3A_151 : i32
    %and3A_153 = arith.andi %ne3A_149, %ne3A_152 : i1
    %sub3A = arith.constant 1 : i32
    %sub3A_154 = arith.subi %div3A, %sub3A : i32
    %select_n3A_155 = arith.select %and3A_153, %sub3A_154, %div3A : i32
    %mul3A_156 = arith.constant 2 : i32
    %mul3A_157 = arith.muli %add3A, %mul3A_156 : i32
    %jit3A_158 = arith.constant 4 : i32
    %div3A_159 = arith.divsi %select_n3A_134, %jit3A_158 : i32
    %sign3A_160 = arith.constant 0 : i32
    %sign3A_161 = arith.cmpi sgt, %select_n3A_134, %sign3A_160 : i32
    %sign3A_162 = arith.extui %sign3A_161 : i1 to i32
    %sign3A_163 = arith.constant 0 : i32
    %sign3A_164 = arith.cmpi slt, %select_n3A_134, %sign3A_163 : i32
    %sign3A_165 = arith.extui %sign3A_164 : i1 to i32
    %sign3A_166 = arith.subi %sign3A_162, %sign3A_165 : i32
    %sign3A_167 = arith.constant 0 : i32
    %sign3A_168 = arith.cmpi sgt, %jit3A_158, %sign3A_167 : i32
    %sign3A_169 = arith.extui %sign3A_168 : i1 to i32
    %sign3A_170 = arith.constant 0 : i32
    %sign3A_171 = arith.cmpi slt, %jit3A_158, %sign3A_170 : i32
    %sign3A_172 = arith.extui %sign3A_171 : i1 to i32
    %sign3A_173 = arith.subi %sign3A_169, %sign3A_172 : i32
    %ne3A_174 = arith.cmpi ne, %sign3A_166, %sign3A_173 : i32
    %rem3A_175 = arith.remsi %select_n3A_134, %jit3A_158 : i32
    %ne3A_176 = arith.constant 0 : i32
    %ne3A_177 = arith.cmpi ne, %rem3A_175, %ne3A_176 : i32
    %and3A_178 = arith.andi %ne3A_174, %ne3A_177 : i1
    %sub3A_179 = arith.constant 1 : i32
    %sub3A_180 = arith.subi %div3A_159, %sub3A_179 : i32
    %select_n3A_181 = arith.select %and3A_178, %sub3A_180, %div3A_159 : i32
    %jit3A_182 = arith.constant 4 : i32
    %eq3A_183 = arith.constant 0 : i32
    %eq3A_184 = arith.cmpi eq, %jit3A_182, %eq3A_183 : i32
    %jit3A_185 = arith.constant 1 : i32
    %select_n3A_186 = arith.select %eq3A_184, %jit3A_185, %jit3A_182 : i32
    %rem3A_187 = arith.remsi %select_n3A_134, %select_n3A_186 : i32
    %ne3A_188 = arith.constant 0 : i32
    %ne3A_189 = arith.cmpi ne, %rem3A_187, %ne3A_188 : i32
    %lt3A_190 = arith.constant 0 : i32
    %lt3A_191 = arith.cmpi slt, %rem3A_187, %lt3A_190 : i32
    %lt3A_192 = arith.constant 0 : i32
    %lt3A_193 = arith.cmpi slt, %select_n3A_186, %lt3A_192 : i32
    %ne3A_194 = arith.xori %lt3A_191, %lt3A_193 : i1
    %and3A_195 = arith.andi %ne3A_194, %ne3A_189 : i1
    %add3A_196 = arith.addi %rem3A_187, %select_n3A_186 : i32
    %select_n3A_197 = arith.select %and3A_195, %add3A_196, %rem3A_187 : i32
    %dma_start3A = arith.constant 0 : i32
    %dma_start3A_198 = arith.constant 0 : i32
    %dma_start3A_199 = arith.constant 0 : i32
    %dma_start3A_200 = tpu.memref_slice %arg4[%dma_start3A, %dma_start3A_198, %dma_start3A_199] : memref<4x2x16000xf32, #tpu.memory_space<vmem>> -> memref<1x2x16000xf32, #tpu.memory_space<vmem>>
    %dma_start3A_201 = tpu.memref_squeeze %dma_start3A_200 : memref<1x2x16000xf32, #tpu.memory_space<vmem>> -> memref<2x16000xf32, #tpu.memory_space<vmem>>
    %dma_start3A_202 = arith.constant 0 : i32
    %dma_start3A_203 = arith.constant 0 : i32
    %dma_start3A_204 = tpu.memref_slice %arg2[%select_n3A_181, %select_n3A_197, %dma_start3A_202, %dma_start3A_203] : memref<16x4x2x64000xf32, #tpu.memory_space<hbm>> -> memref<1x1x2x16000xf32, #tpu.memory_space<hbm>>
    %dma_start3A_205 = tpu.memref_squeeze %dma_start3A_204 : memref<1x1x2x16000xf32, #tpu.memory_space<hbm>> -> memref<2x16000xf32, #tpu.memory_space<hbm>>
    %dma_start3A_206 = arith.constant 0 : i32
    %dma_start3A_207 = arith.constant 0 : i32
    %dma_start3A_208 = tpu.memref_slice %arg4[%dma_start3A, %dma_start3A_206, %dma_start3A_207] : memref<4x2x16000xf32, #tpu.memory_space<vmem>> -> memref<1x2x16000xf32, #tpu.memory_space<vmem>>
    %dma_start3A_209 = tpu.memref_squeeze %dma_start3A_208 : memref<1x2x16000xf32, #tpu.memory_space<vmem>> -> memref<2x16000xf32, #tpu.memory_space<vmem>>
    %dma_start3A_210 = arith.constant 0 : i32
    %dma_start3A_211 = arith.constant 0 : i32
    %dma_start3A_212 = tpu.memref_slice %arg2[%select_n3A_181, %select_n3A_197, %dma_start3A_210, %dma_start3A_211] : memref<16x4x2x64000xf32, #tpu.memory_space<hbm>> -> memref<1x1x2x16000xf32, #tpu.memory_space<hbm>>
    %dma_start3A_213 = tpu.memref_squeeze %dma_start3A_212 : memref<1x1x2x16000xf32, #tpu.memory_space<hbm>> -> memref<2x16000xf32, #tpu.memory_space<hbm>>
    tpu.enqueue_dma source(%dma_start3A_213 : memref<2x16000xf32, #tpu.memory_space<hbm>>) target(%dma_start3A_209 : memref<2x16000xf32, #tpu.memory_space<vmem>>) target_semaphore(%arg5 : memref<!tpu.dma_semaphore, #tpu.memory_space<semaphore_mem>>)
    %jit3A_214 = arith.constant 4 : i32
    %div3A_215 = arith.divsi %select_n3A_134, %jit3A_214 : i32
    %sign3A_216 = arith.constant 0 : i32
    %sign3A_217 = arith.cmpi sgt, %select_n3A_134, %sign3A_216 : i32
    %sign3A_218 = arith.extui %sign3A_217 : i1 to i32
    %sign3A_219 = arith.constant 0 : i32
    %sign3A_220 = arith.cmpi slt, %select_n3A_134, %sign3A_219 : i32
    %sign3A_221 = arith.extui %sign3A_220 : i1 to i32
    %sign3A_222 = arith.subi %sign3A_218, %sign3A_221 : i32
    %sign3A_223 = arith.constant 0 : i32
    %sign3A_224 = arith.cmpi sgt, %jit3A_214, %sign3A_223 : i32
    %sign3A_225 = arith.extui %sign3A_224 : i1 to i32
    %sign3A_226 = arith.constant 0 : i32
    %sign3A_227 = arith.cmpi slt, %jit3A_214, %sign3A_226 : i32
    %sign3A_228 = arith.extui %sign3A_227 : i1 to i32
    %sign3A_229 = arith.subi %sign3A_225, %sign3A_228 : i32
    %ne3A_230 = arith.cmpi ne, %sign3A_222, %sign3A_229 : i32
    %rem3A_231 = arith.remsi %select_n3A_134, %jit3A_214 : i32
    %ne3A_232 = arith.constant 0 : i32
    %ne3A_233 = arith.cmpi ne, %rem3A_231, %ne3A_232 : i32
    %and3A_234 = arith.andi %ne3A_230, %ne3A_233 : i1
    %sub3A_235 = arith.constant 1 : i32
    %sub3A_236 = arith.subi %div3A_215, %sub3A_235 : i32
    %select_n3A_237 = arith.select %and3A_234, %sub3A_236, %div3A_215 : i32
    %jit3A_238 = arith.constant 4 : i32
    %eq3A_239 = arith.constant 0 : i32
    %eq3A_240 = arith.cmpi eq, %jit3A_238, %eq3A_239 : i32
    %jit3A_241 = arith.constant 1 : i32
    %select_n3A_242 = arith.select %eq3A_240, %jit3A_241, %jit3A_238 : i32
    %rem3A_243 = arith.remsi %select_n3A_134, %select_n3A_242 : i32
    %ne3A_244 = arith.constant 0 : i32
    %ne3A_245 = arith.cmpi ne, %rem3A_243, %ne3A_244 : i32
    %lt3A_246 = arith.constant 0 : i32
    %lt3A_247 = arith.cmpi slt, %rem3A_243, %lt3A_246 : i32
    %lt3A_248 = arith.constant 0 : i32
    %lt3A_249 = arith.cmpi slt, %select_n3A_242, %lt3A_248 : i32
    %ne3A_250 = arith.xori %lt3A_247, %lt3A_249 : i1
    %and3A_251 = arith.andi %ne3A_250, %ne3A_245 : i1
    %add3A_252 = arith.addi %rem3A_243, %select_n3A_242 : i32
    %select_n3A_253 = arith.select %and3A_251, %add3A_252, %rem3A_243 : i32
    %dma_start3A_254 = arith.constant 1 : i32
    %dma_start3A_255 = arith.constant 0 : i32
    %dma_start3A_256 = arith.constant 0 : i32
    %dma_start3A_257 = tpu.memref_slice %arg4[%dma_start3A_254, %dma_start3A_255, %dma_start3A_256] : memref<4x2x16000xf32, #tpu.memory_space<vmem>> -> memref<1x2x16000xf32, #tpu.memory_space<vmem>>
    %dma_start3A_258 = tpu.memref_squeeze %dma_start3A_257 : memref<1x2x16000xf32, #tpu.memory_space<vmem>> -> memref<2x16000xf32, #tpu.memory_space<vmem>>
    %dma_start3A_259 = arith.constant 0 : i32
    %dma_start3A_260 = arith.constant 16000 : i32
    %dma_start3A_261 = tpu.memref_slice %arg2[%select_n3A_237, %select_n3A_253, %dma_start3A_259, %dma_start3A_260] : memref<16x4x2x64000xf32, #tpu.memory_space<hbm>> -> memref<1x1x2x16000xf32, #tpu.memory_space<hbm>>
    %dma_start3A_262 = tpu.memref_squeeze %dma_start3A_261 : memref<1x1x2x16000xf32, #tpu.memory_space<hbm>> -> memref<2x16000xf32, #tpu.memory_space<hbm>>
    %dma_start3A_263 = arith.constant 0 : i32
    %dma_start3A_264 = arith.constant 0 : i32
    %dma_start3A_265 = tpu.memref_slice %arg4[%dma_start3A_254, %dma_start3A_263, %dma_start3A_264] : memref<4x2x16000xf32, #tpu.memory_space<vmem>> -> memref<1x2x16000xf32, #tpu.memory_space<vmem>>
    %dma_start3A_266 = tpu.memref_squeeze %dma_start3A_265 : memref<1x2x16000xf32, #tpu.memory_space<vmem>> -> memref<2x16000xf32, #tpu.memory_space<vmem>>
    %dma_start3A_267 = arith.constant 0 : i32
    %dma_start3A_268 = arith.constant 16000 : i32
    %dma_start3A_269 = tpu.memref_slice %arg2[%select_n3A_237, %select_n3A_253, %dma_start3A_267, %dma_start3A_268] : memref<16x4x2x64000xf32, #tpu.memory_space<hbm>> -> memref<1x1x2x16000xf32, #tpu.memory_space<hbm>>
    %dma_start3A_270 = tpu.memref_squeeze %dma_start3A_269 : memref<1x1x2x16000xf32, #tpu.memory_space<hbm>> -> memref<2x16000xf32, #tpu.memory_space<hbm>>
    tpu.enqueue_dma source(%dma_start3A_270 : memref<2x16000xf32, #tpu.memory_space<hbm>>) target(%dma_start3A_266 : memref<2x16000xf32, #tpu.memory_space<vmem>>) target_semaphore(%arg6 : memref<!tpu.dma_semaphore, #tpu.memory_space<semaphore_mem>>)
    %dma_wait3A = arith.constant 0 : i32
    %dma_wait3A_271 = arith.constant 0 : i32
    %dma_wait3A_272 = arith.constant 0 : i32
    %dma_wait3A_273 = tpu.memref_slice %arg4[%dma_wait3A, %dma_wait3A_271, %dma_wait3A_272] : memref<4x2x16000xf32, #tpu.memory_space<vmem>> -> memref<1x2x16000xf32, #tpu.memory_space<vmem>>
    %dma_wait3A_274 = tpu.memref_squeeze %dma_wait3A_273 : memref<1x2x16000xf32, #tpu.memory_space<vmem>> -> memref<2x16000xf32, #tpu.memory_space<vmem>>
    %dma_wait3A_275 = arith.constant 0 : i32
    %dma_wait3A_276 = arith.constant 0 : i32
    %dma_wait3A_277 = tpu.memref_slice %arg2[%select_n3A_181, %select_n3A_197, %dma_wait3A_275, %dma_wait3A_276] : memref<16x4x2x64000xf32, #tpu.memory_space<hbm>> -> memref<1x1x2x16000xf32, #tpu.memory_space<hbm>>
    %dma_wait3A_278 = tpu.memref_squeeze %dma_wait3A_277 : memref<1x1x2x16000xf32, #tpu.memory_space<hbm>> -> memref<2x16000xf32, #tpu.memory_space<hbm>>
    %dma_wait3A_279 = arith.constant 0 : i32
    %dma_wait3A_280 = arith.constant 0 : i32
    %dma_wait3A_281 = tpu.memref_slice %arg4[%dma_wait3A, %dma_wait3A_279, %dma_wait3A_280] : memref<4x2x16000xf32, #tpu.memory_space<vmem>> -> memref<1x2x16000xf32, #tpu.memory_space<vmem>>
    %dma_wait3A_282 = tpu.memref_squeeze %dma_wait3A_281 : memref<1x2x16000xf32, #tpu.memory_space<vmem>> -> memref<2x16000xf32, #tpu.memory_space<vmem>>
    %dma_wait3A_283 = arith.constant 0 : i32
    %dma_wait3A_284 = arith.constant 0 : i32
    %dma_wait3A_285 = tpu.memref_slice %arg2[%select_n3A_181, %select_n3A_197, %dma_wait3A_283, %dma_wait3A_284] : memref<16x4x2x64000xf32, #tpu.memory_space<hbm>> -> memref<1x1x2x16000xf32, #tpu.memory_space<hbm>>
    %dma_wait3A_286 = tpu.memref_squeeze %dma_wait3A_285 : memref<1x1x2x16000xf32, #tpu.memory_space<hbm>> -> memref<2x16000xf32, #tpu.memory_space<hbm>>
    tpu.wait_dma2 semaphore(%arg5 : memref<!tpu.dma_semaphore, #tpu.memory_space<semaphore_mem>>) src(%dma_wait3A_286 : memref<2x16000xf32, #tpu.memory_space<hbm>>) dst(%dma_wait3A_282 : memref<2x16000xf32, #tpu.memory_space<vmem>>)
    %add3A_287 = arith.constant 0 : i32
    %add3A_288 = arith.addi %mul3A_157, %add3A_287 : i32
    %jit3A_289 = arith.constant 4 : i32
    %div3A_290 = arith.divsi %add3A_288, %jit3A_289 : i32
    %sign3A_291 = arith.constant 0 : i32
    %sign3A_292 = arith.cmpi sgt, %add3A_288, %sign3A_291 : i32
    %sign3A_293 = arith.extui %sign3A_292 : i1 to i32
    %sign3A_294 = arith.constant 0 : i32
    %sign3A_295 = arith.cmpi slt, %add3A_288, %sign3A_294 : i32
    %sign3A_296 = arith.extui %sign3A_295 : i1 to i32
    %sign3A_297 = arith.subi %sign3A_293, %sign3A_296 : i32
    %sign3A_298 = arith.constant 0 : i32
    %sign3A_299 = arith.cmpi sgt, %jit3A_289, %sign3A_298 : i32
    %sign3A_300 = arith.extui %sign3A_299 : i1 to i32
    %sign3A_301 = arith.constant 0 : i32
    %sign3A_302 = arith.cmpi slt, %jit3A_289, %sign3A_301 : i32
    %sign3A_303 = arith.extui %sign3A_302 : i1 to i32
    %sign3A_304 = arith.subi %sign3A_300, %sign3A_303 : i32
    %ne3A_305 = arith.cmpi ne, %sign3A_297, %sign3A_304 : i32
    %rem3A_306 = arith.remsi %add3A_288, %jit3A_289 : i32
    %ne3A_307 = arith.constant 0 : i32
    %ne3A_308 = arith.cmpi ne, %rem3A_306, %ne3A_307 : i32
    %and3A_309 = arith.andi %ne3A_305, %ne3A_308 : i1
    %sub3A_310 = arith.constant 1 : i32
    %sub3A_311 = arith.subi %div3A_290, %sub3A_310 : i32
    %select_n3A_312 = arith.select %and3A_309, %sub3A_311, %div3A_290 : i32
    %jit3A_313 = arith.constant 4 : i32
    %eq3A_314 = arith.constant 0 : i32
    %eq3A_315 = arith.cmpi eq, %jit3A_313, %eq3A_314 : i32
    %jit3A_316 = arith.constant 1 : i32
    %select_n3A_317 = arith.select %eq3A_315, %jit3A_316, %jit3A_313 : i32
    %rem3A_318 = arith.remsi %add3A_288, %select_n3A_317 : i32
    %ne3A_319 = arith.constant 0 : i32
    %ne3A_320 = arith.cmpi ne, %rem3A_318, %ne3A_319 : i32
    %lt3A_321 = arith.constant 0 : i32
    %lt3A_322 = arith.cmpi slt, %rem3A_318, %lt3A_321 : i32
    %lt3A_323 = arith.constant 0 : i32
    %lt3A_324 = arith.cmpi slt, %select_n3A_317, %lt3A_323 : i32
    %ne3A_325 = arith.xori %lt3A_322, %lt3A_324 : i1
    %and3A_326 = arith.andi %ne3A_325, %ne3A_320 : i1
    %add3A_327 = arith.addi %rem3A_318, %select_n3A_317 : i32
    %select_n3A_328 = arith.select %and3A_326, %add3A_327, %rem3A_318 : i32
    %dma_start3A_329 = arith.constant 0 : i32
    %dma_start3A_330 = arith.constant 0 : i32
    %dma_start3A_331 = arith.constant 0 : i32
    %dma_start3A_332 = tpu.memref_slice %arg4[%dma_start3A_329, %dma_start3A_330, %dma_start3A_331] : memref<4x2x16000xf32, #tpu.memory_space<vmem>> -> memref<1x2x16000xf32, #tpu.memory_space<vmem>>
    %dma_start3A_333 = tpu.memref_squeeze %dma_start3A_332 : memref<1x2x16000xf32, #tpu.memory_space<vmem>> -> memref<2x16000xf32, #tpu.memory_space<vmem>>
    %dma_start3A_334 = arith.constant 0 : i32
    %dma_start3A_335 = arith.constant 0 : i32
    %dma_start3A_336 = tpu.memref_slice %arg3[%select_n3A_312, %select_n3A_328, %dma_start3A_334, %dma_start3A_335] : memref<16x4x2x64000xf32, #tpu.memory_space<hbm>> -> memref<1x1x2x16000xf32, #tpu.memory_space<hbm>>
    %dma_start3A_337 = tpu.memref_squeeze %dma_start3A_336 : memref<1x1x2x16000xf32, #tpu.memory_space<hbm>> -> memref<2x16000xf32, #tpu.memory_space<hbm>>
    %dma_start3A_338 = arith.constant 0 : i32
    %dma_start3A_339 = arith.constant 0 : i32
    %dma_start3A_340 = tpu.memref_slice %arg3[%select_n3A_312, %select_n3A_328, %dma_start3A_338, %dma_start3A_339] : memref<16x4x2x64000xf32, #tpu.memory_space<hbm>> -> memref<1x1x2x16000xf32, #tpu.memory_space<hbm>>
    %dma_start3A_341 = tpu.memref_squeeze %dma_start3A_340 : memref<1x1x2x16000xf32, #tpu.memory_space<hbm>> -> memref<2x16000xf32, #tpu.memory_space<hbm>>
    %dma_start3A_342 = arith.constant 0 : i32
    %dma_start3A_343 = arith.constant 0 : i32
    %dma_start3A_344 = tpu.memref_slice %arg4[%dma_start3A_329, %dma_start3A_342, %dma_start3A_343] : memref<4x2x16000xf32, #tpu.memory_space<vmem>> -> memref<1x2x16000xf32, #tpu.memory_space<vmem>>
    %dma_start3A_345 = tpu.memref_squeeze %dma_start3A_344 : memref<1x2x16000xf32, #tpu.memory_space<vmem>> -> memref<2x16000xf32, #tpu.memory_space<vmem>>
    tpu.enqueue_dma source(%dma_start3A_345 : memref<2x16000xf32, #tpu.memory_space<vmem>>) target(%dma_start3A_341 : memref<2x16000xf32, #tpu.memory_space<hbm>>) target_semaphore(%arg9 : memref<!tpu.dma_semaphore, #tpu.memory_space<semaphore_mem>>)
    %jit3A_346 = arith.constant 4 : i32
    %div3A_347 = arith.divsi %select_n3A_134, %jit3A_346 : i32
    %sign3A_348 = arith.constant 0 : i32
    %sign3A_349 = arith.cmpi sgt, %select_n3A_134, %sign3A_348 : i32
    %sign3A_350 = arith.extui %sign3A_349 : i1 to i32
    %sign3A_351 = arith.constant 0 : i32
    %sign3A_352 = arith.cmpi slt, %select_n3A_134, %sign3A_351 : i32
    %sign3A_353 = arith.extui %sign3A_352 : i1 to i32
    %sign3A_354 = arith.subi %sign3A_350, %sign3A_353 : i32
    %sign3A_355 = arith.constant 0 : i32
    %sign3A_356 = arith.cmpi sgt, %jit3A_346, %sign3A_355 : i32
    %sign3A_357 = arith.extui %sign3A_356 : i1 to i32
    %sign3A_358 = arith.constant 0 : i32
    %sign3A_359 = arith.cmpi slt, %jit3A_346, %sign3A_358 : i32
    %sign3A_360 = arith.extui %sign3A_359 : i1 to i32
    %sign3A_361 = arith.subi %sign3A_357, %sign3A_360 : i32
    %ne3A_362 = arith.cmpi ne, %sign3A_354, %sign3A_361 : i32
    %rem3A_363 = arith.remsi %select_n3A_134, %jit3A_346 : i32
    %ne3A_364 = arith.constant 0 : i32
    %ne3A_365 = arith.cmpi ne, %rem3A_363, %ne3A_364 : i32
    %and3A_366 = arith.andi %ne3A_362, %ne3A_365 : i1
    %sub3A_367 = arith.constant 1 : i32
    %sub3A_368 = arith.subi %div3A_347, %sub3A_367 : i32
    %select_n3A_369 = arith.select %and3A_366, %sub3A_368, %div3A_347 : i32
    %jit3A_370 = arith.constant 4 : i32
    %eq3A_371 = arith.constant 0 : i32
    %eq3A_372 = arith.cmpi eq, %jit3A_370, %eq3A_371 : i32
    %jit3A_373 = arith.constant 1 : i32
    %select_n3A_374 = arith.select %eq3A_372, %jit3A_373, %jit3A_370 : i32
    %rem3A_375 = arith.remsi %select_n3A_134, %select_n3A_374 : i32
    %ne3A_376 = arith.constant 0 : i32
    %ne3A_377 = arith.cmpi ne, %rem3A_375, %ne3A_376 : i32
    %lt3A_378 = arith.constant 0 : i32
    %lt3A_379 = arith.cmpi slt, %rem3A_375, %lt3A_378 : i32
    %lt3A_380 = arith.constant 0 : i32
    %lt3A_381 = arith.cmpi slt, %select_n3A_374, %lt3A_380 : i32
    %ne3A_382 = arith.xori %lt3A_379, %lt3A_381 : i1
    %and3A_383 = arith.andi %ne3A_382, %ne3A_377 : i1
    %add3A_384 = arith.addi %rem3A_375, %select_n3A_374 : i32
    %select_n3A_385 = arith.select %and3A_383, %add3A_384, %rem3A_375 : i32
    %dma_start3A_386 = arith.constant 2 : i32
    %dma_start3A_387 = arith.constant 0 : i32
    %dma_start3A_388 = arith.constant 0 : i32
    %dma_start3A_389 = tpu.memref_slice %arg4[%dma_start3A_386, %dma_start3A_387, %dma_start3A_388] : memref<4x2x16000xf32, #tpu.memory_space<vmem>> -> memref<1x2x16000xf32, #tpu.memory_space<vmem>>
    %dma_start3A_390 = tpu.memref_squeeze %dma_start3A_389 : memref<1x2x16000xf32, #tpu.memory_space<vmem>> -> memref<2x16000xf32, #tpu.memory_space<vmem>>
    %dma_start3A_391 = arith.constant 0 : i32
    %dma_start3A_392 = arith.constant 32000 : i32
    %dma_start3A_393 = tpu.memref_slice %arg2[%select_n3A_369, %select_n3A_385, %dma_start3A_391, %dma_start3A_392] : memref<16x4x2x64000xf32, #tpu.memory_space<hbm>> -> memref<1x1x2x16000xf32, #tpu.memory_space<hbm>>
    %dma_start3A_394 = tpu.memref_squeeze %dma_start3A_393 : memref<1x1x2x16000xf32, #tpu.memory_space<hbm>> -> memref<2x16000xf32, #tpu.memory_space<hbm>>
    %dma_start3A_395 = arith.constant 0 : i32
    %dma_start3A_396 = arith.constant 0 : i32
    %dma_start3A_397 = tpu.memref_slice %arg4[%dma_start3A_386, %dma_start3A_395, %dma_start3A_396] : memref<4x2x16000xf32, #tpu.memory_space<vmem>> -> memref<1x2x16000xf32, #tpu.memory_space<vmem>>
    %dma_start3A_398 = tpu.memref_squeeze %dma_start3A_397 : memref<1x2x16000xf32, #tpu.memory_space<vmem>> -> memref<2x16000xf32, #tpu.memory_space<vmem>>
    %dma_start3A_399 = arith.constant 0 : i32
    %dma_start3A_400 = arith.constant 32000 : i32
    %dma_start3A_401 = tpu.memref_slice %arg2[%select_n3A_369, %select_n3A_385, %dma_start3A_399, %dma_start3A_400] : memref<16x4x2x64000xf32, #tpu.memory_space<hbm>> -> memref<1x1x2x16000xf32, #tpu.memory_space<hbm>>
    %dma_start3A_402 = tpu.memref_squeeze %dma_start3A_401 : memref<1x1x2x16000xf32, #tpu.memory_space<hbm>> -> memref<2x16000xf32, #tpu.memory_space<hbm>>
    tpu.enqueue_dma source(%dma_start3A_402 : memref<2x16000xf32, #tpu.memory_space<hbm>>) target(%dma_start3A_398 : memref<2x16000xf32, #tpu.memory_space<vmem>>) target_semaphore(%arg7 : memref<!tpu.dma_semaphore, #tpu.memory_space<semaphore_mem>>)
    %dma_wait3A_403 = arith.constant 1 : i32
    %dma_wait3A_404 = arith.constant 0 : i32
    %dma_wait3A_405 = arith.constant 0 : i32
    %dma_wait3A_406 = tpu.memref_slice %arg4[%dma_wait3A_403, %dma_wait3A_404, %dma_wait3A_405] : memref<4x2x16000xf32, #tpu.memory_space<vmem>> -> memref<1x2x16000xf32, #tpu.memory_space<vmem>>
    %dma_wait3A_407 = tpu.memref_squeeze %dma_wait3A_406 : memref<1x2x16000xf32, #tpu.memory_space<vmem>> -> memref<2x16000xf32, #tpu.memory_space<vmem>>
    %dma_wait3A_408 = arith.constant 0 : i32
    %dma_wait3A_409 = arith.constant 16000 : i32
    %dma_wait3A_410 = tpu.memref_slice %arg2[%select_n3A_237, %select_n3A_253, %dma_wait3A_408, %dma_wait3A_409] : memref<16x4x2x64000xf32, #tpu.memory_space<hbm>> -> memref<1x1x2x16000xf32, #tpu.memory_space<hbm>>
    %dma_wait3A_411 = tpu.memref_squeeze %dma_wait3A_410 : memref<1x1x2x16000xf32, #tpu.memory_space<hbm>> -> memref<2x16000xf32, #tpu.memory_space<hbm>>
    %dma_wait3A_412 = arith.constant 0 : i32
    %dma_wait3A_413 = arith.constant 0 : i32
    %dma_wait3A_414 = tpu.memref_slice %arg4[%dma_wait3A_403, %dma_wait3A_412, %dma_wait3A_413] : memref<4x2x16000xf32, #tpu.memory_space<vmem>> -> memref<1x2x16000xf32, #tpu.memory_space<vmem>>
    %dma_wait3A_415 = tpu.memref_squeeze %dma_wait3A_414 : memref<1x2x16000xf32, #tpu.memory_space<vmem>> -> memref<2x16000xf32, #tpu.memory_space<vmem>>
    %dma_wait3A_416 = arith.constant 0 : i32
    %dma_wait3A_417 = arith.constant 16000 : i32
    %dma_wait3A_418 = tpu.memref_slice %arg2[%select_n3A_237, %select_n3A_253, %dma_wait3A_416, %dma_wait3A_417] : memref<16x4x2x64000xf32, #tpu.memory_space<hbm>> -> memref<1x1x2x16000xf32, #tpu.memory_space<hbm>>
    %dma_wait3A_419 = tpu.memref_squeeze %dma_wait3A_418 : memref<1x1x2x16000xf32, #tpu.memory_space<hbm>> -> memref<2x16000xf32, #tpu.memory_space<hbm>>
    tpu.wait_dma2 semaphore(%arg6 : memref<!tpu.dma_semaphore, #tpu.memory_space<semaphore_mem>>) src(%dma_wait3A_419 : memref<2x16000xf32, #tpu.memory_space<hbm>>) dst(%dma_wait3A_415 : memref<2x16000xf32, #tpu.memory_space<vmem>>)
    %add3A_420 = arith.constant 0 : i32
    %add3A_421 = arith.addi %mul3A_157, %add3A_420 : i32
    %jit3A_422 = arith.constant 4 : i32
    %div3A_423 = arith.divsi %add3A_421, %jit3A_422 : i32
    %sign3A_424 = arith.constant 0 : i32
    %sign3A_425 = arith.cmpi sgt, %add3A_421, %sign3A_424 : i32
    %sign3A_426 = arith.extui %sign3A_425 : i1 to i32
    %sign3A_427 = arith.constant 0 : i32
    %sign3A_428 = arith.cmpi slt, %add3A_421, %sign3A_427 : i32
    %sign3A_429 = arith.extui %sign3A_428 : i1 to i32
    %sign3A_430 = arith.subi %sign3A_426, %sign3A_429 : i32
    %sign3A_431 = arith.constant 0 : i32
    %sign3A_432 = arith.cmpi sgt, %jit3A_422, %sign3A_431 : i32
    %sign3A_433 = arith.extui %sign3A_432 : i1 to i32
    %sign3A_434 = arith.constant 0 : i32
    %sign3A_435 = arith.cmpi slt, %jit3A_422, %sign3A_434 : i32
    %sign3A_436 = arith.extui %sign3A_435 : i1 to i32
    %sign3A_437 = arith.subi %sign3A_433, %sign3A_436 : i32
    %ne3A_438 = arith.cmpi ne, %sign3A_430, %sign3A_437 : i32
    %rem3A_439 = arith.remsi %add3A_421, %jit3A_422 : i32
    %ne3A_440 = arith.constant 0 : i32
    %ne3A_441 = arith.cmpi ne, %rem3A_439, %ne3A_440 : i32
    %and3A_442 = arith.andi %ne3A_438, %ne3A_441 : i1
    %sub3A_443 = arith.constant 1 : i32
    %sub3A_444 = arith.subi %div3A_423, %sub3A_443 : i32
    %select_n3A_445 = arith.select %and3A_442, %sub3A_444, %div3A_423 : i32
    %jit3A_446 = arith.constant 4 : i32
    %eq3A_447 = arith.constant 0 : i32
    %eq3A_448 = arith.cmpi eq, %jit3A_446, %eq3A_447 : i32
    %jit3A_449 = arith.constant 1 : i32
    %select_n3A_450 = arith.select %eq3A_448, %jit3A_449, %jit3A_446 : i32
    %rem3A_451 = arith.remsi %add3A_421, %select_n3A_450 : i32
    %ne3A_452 = arith.constant 0 : i32
    %ne3A_453 = arith.cmpi ne, %rem3A_451, %ne3A_452 : i32
    %lt3A_454 = arith.constant 0 : i32
    %lt3A_455 = arith.cmpi slt, %rem3A_451, %lt3A_454 : i32
    %lt3A_456 = arith.constant 0 : i32
    %lt3A_457 = arith.cmpi slt, %select_n3A_450, %lt3A_456 : i32
    %ne3A_458 = arith.xori %lt3A_455, %lt3A_457 : i1
    %and3A_459 = arith.andi %ne3A_458, %ne3A_453 : i1
    %add3A_460 = arith.addi %rem3A_451, %select_n3A_450 : i32
    %select_n3A_461 = arith.select %and3A_459, %add3A_460, %rem3A_451 : i32
    %dma_start3A_462 = arith.constant 1 : i32
    %dma_start3A_463 = arith.constant 0 : i32
    %dma_start3A_464 = arith.constant 0 : i32
    %dma_start3A_465 = tpu.memref_slice %arg4[%dma_start3A_462, %dma_start3A_463, %dma_start3A_464] : memref<4x2x16000xf32, #tpu.memory_space<vmem>> -> memref<1x2x16000xf32, #tpu.memory_space<vmem>>
    %dma_start3A_466 = tpu.memref_squeeze %dma_start3A_465 : memref<1x2x16000xf32, #tpu.memory_space<vmem>> -> memref<2x16000xf32, #tpu.memory_space<vmem>>
    %dma_start3A_467 = arith.constant 0 : i32
    %dma_start3A_468 = arith.constant 16000 : i32
    %dma_start3A_469 = tpu.memref_slice %arg3[%select_n3A_445, %select_n3A_461, %dma_start3A_467, %dma_start3A_468] : memref<16x4x2x64000xf32, #tpu.memory_space<hbm>> -> memref<1x1x2x16000xf32, #tpu.memory_space<hbm>>
    %dma_start3A_470 = tpu.memref_squeeze %dma_start3A_469 : memref<1x1x2x16000xf32, #tpu.memory_space<hbm>> -> memref<2x16000xf32, #tpu.memory_space<hbm>>
    %dma_start3A_471 = arith.constant 0 : i32
    %dma_start3A_472 = arith.constant 16000 : i32
    %dma_start3A_473 = tpu.memref_slice %arg3[%select_n3A_445, %select_n3A_461, %dma_start3A_471, %dma_start3A_472] : memref<16x4x2x64000xf32, #tpu.memory_space<hbm>> -> memref<1x1x2x16000xf32, #tpu.memory_space<hbm>>
    %dma_start3A_474 = tpu.memref_squeeze %dma_start3A_473 : memref<1x1x2x16000xf32, #tpu.memory_space<hbm>> -> memref<2x16000xf32, #tpu.memory_space<hbm>>
    %dma_start3A_475 = arith.constant 0 : i32
    %dma_start3A_476 = arith.constant 0 : i32
    %dma_start3A_477 = tpu.memref_slice %arg4[%dma_start3A_462, %dma_start3A_475, %dma_start3A_476] : memref<4x2x16000xf32, #tpu.memory_space<vmem>> -> memref<1x2x16000xf32, #tpu.memory_space<vmem>>
    %dma_start3A_478 = tpu.memref_squeeze %dma_start3A_477 : memref<1x2x16000xf32, #tpu.memory_space<vmem>> -> memref<2x16000xf32, #tpu.memory_space<vmem>>
    tpu.enqueue_dma source(%dma_start3A_478 : memref<2x16000xf32, #tpu.memory_space<vmem>>) target(%dma_start3A_474 : memref<2x16000xf32, #tpu.memory_space<hbm>>) target_semaphore(%arg10 : memref<!tpu.dma_semaphore, #tpu.memory_space<semaphore_mem>>)
    %jit3A_479 = arith.constant 4 : i32
    %div3A_480 = arith.divsi %select_n3A_134, %jit3A_479 : i32
    %sign3A_481 = arith.constant 0 : i32
    %sign3A_482 = arith.cmpi sgt, %select_n3A_134, %sign3A_481 : i32
    %sign3A_483 = arith.extui %sign3A_482 : i1 to i32
    %sign3A_484 = arith.constant 0 : i32
    %sign3A_485 = arith.cmpi slt, %select_n3A_134, %sign3A_484 : i32
    %sign3A_486 = arith.extui %sign3A_485 : i1 to i32
    %sign3A_487 = arith.subi %sign3A_483, %sign3A_486 : i32
    %sign3A_488 = arith.constant 0 : i32
    %sign3A_489 = arith.cmpi sgt, %jit3A_479, %sign3A_488 : i32
    %sign3A_490 = arith.extui %sign3A_489 : i1 to i32
    %sign3A_491 = arith.constant 0 : i32
    %sign3A_492 = arith.cmpi slt, %jit3A_479, %sign3A_491 : i32
    %sign3A_493 = arith.extui %sign3A_492 : i1 to i32
    %sign3A_494 = arith.subi %sign3A_490, %sign3A_493 : i32
    %ne3A_495 = arith.cmpi ne, %sign3A_487, %sign3A_494 : i32
    %rem3A_496 = arith.remsi %select_n3A_134, %jit3A_479 : i32
    %ne3A_497 = arith.constant 0 : i32
    %ne3A_498 = arith.cmpi ne, %rem3A_496, %ne3A_497 : i32
    %and3A_499 = arith.andi %ne3A_495, %ne3A_498 : i1
    %sub3A_500 = arith.constant 1 : i32
    %sub3A_501 = arith.subi %div3A_480, %sub3A_500 : i32
    %select_n3A_502 = arith.select %and3A_499, %sub3A_501, %div3A_480 : i32
    %jit3A_503 = arith.constant 4 : i32
    %eq3A_504 = arith.constant 0 : i32
    %eq3A_505 = arith.cmpi eq, %jit3A_503, %eq3A_504 : i32
    %jit3A_506 = arith.constant 1 : i32
    %select_n3A_507 = arith.select %eq3A_505, %jit3A_506, %jit3A_503 : i32
    %rem3A_508 = arith.remsi %select_n3A_134, %select_n3A_507 : i32
    %ne3A_509 = arith.constant 0 : i32
    %ne3A_510 = arith.cmpi ne, %rem3A_508, %ne3A_509 : i32
    %lt3A_511 = arith.constant 0 : i32
    %lt3A_512 = arith.cmpi slt, %rem3A_508, %lt3A_511 : i32
    %lt3A_513 = arith.constant 0 : i32
    %lt3A_514 = arith.cmpi slt, %select_n3A_507, %lt3A_513 : i32
    %ne3A_515 = arith.xori %lt3A_512, %lt3A_514 : i1
    %and3A_516 = arith.andi %ne3A_515, %ne3A_510 : i1
    %add3A_517 = arith.addi %rem3A_508, %select_n3A_507 : i32
    %select_n3A_518 = arith.select %and3A_516, %add3A_517, %rem3A_508 : i32
    %dma_start3A_519 = arith.constant 3 : i32
    %dma_start3A_520 = arith.constant 0 : i32
    %dma_start3A_521 = arith.constant 0 : i32
    %dma_start3A_522 = tpu.memref_slice %arg4[%dma_start3A_519, %dma_start3A_520, %dma_start3A_521] : memref<4x2x16000xf32, #tpu.memory_space<vmem>> -> memref<1x2x16000xf32, #tpu.memory_space<vmem>>
    %dma_start3A_523 = tpu.memref_squeeze %dma_start3A_522 : memref<1x2x16000xf32, #tpu.memory_space<vmem>> -> memref<2x16000xf32, #tpu.memory_space<vmem>>
    %dma_start3A_524 = arith.constant 0 : i32
    %dma_start3A_525 = arith.constant 48000 : i32
    %dma_start3A_526 = tpu.memref_slice %arg2[%select_n3A_502, %select_n3A_518, %dma_start3A_524, %dma_start3A_525] : memref<16x4x2x64000xf32, #tpu.memory_space<hbm>> -> memref<1x1x2x16000xf32, #tpu.memory_space<hbm>>
    %dma_start3A_527 = tpu.memref_squeeze %dma_start3A_526 : memref<1x1x2x16000xf32, #tpu.memory_space<hbm>> -> memref<2x16000xf32, #tpu.memory_space<hbm>>
    %dma_start3A_528 = arith.constant 0 : i32
    %dma_start3A_529 = arith.constant 0 : i32
    %dma_start3A_530 = tpu.memref_slice %arg4[%dma_start3A_519, %dma_start3A_528, %dma_start3A_529] : memref<4x2x16000xf32, #tpu.memory_space<vmem>> -> memref<1x2x16000xf32, #tpu.memory_space<vmem>>
    %dma_start3A_531 = tpu.memref_squeeze %dma_start3A_530 : memref<1x2x16000xf32, #tpu.memory_space<vmem>> -> memref<2x16000xf32, #tpu.memory_space<vmem>>
    %dma_start3A_532 = arith.constant 0 : i32
    %dma_start3A_533 = arith.constant 48000 : i32
    %dma_start3A_534 = tpu.memref_slice %arg2[%select_n3A_502, %select_n3A_518, %dma_start3A_532, %dma_start3A_533] : memref<16x4x2x64000xf32, #tpu.memory_space<hbm>> -> memref<1x1x2x16000xf32, #tpu.memory_space<hbm>>
    %dma_start3A_535 = tpu.memref_squeeze %dma_start3A_534 : memref<1x1x2x16000xf32, #tpu.memory_space<hbm>> -> memref<2x16000xf32, #tpu.memory_space<hbm>>
    tpu.enqueue_dma source(%dma_start3A_535 : memref<2x16000xf32, #tpu.memory_space<hbm>>) target(%dma_start3A_531 : memref<2x16000xf32, #tpu.memory_space<vmem>>) target_semaphore(%arg8 : memref<!tpu.dma_semaphore, #tpu.memory_space<semaphore_mem>>)
    %dma_wait3A_536 = arith.constant 2 : i32
    %dma_wait3A_537 = arith.constant 0 : i32
    %dma_wait3A_538 = arith.constant 0 : i32
    %dma_wait3A_539 = tpu.memref_slice %arg4[%dma_wait3A_536, %dma_wait3A_537, %dma_wait3A_538] : memref<4x2x16000xf32, #tpu.memory_space<vmem>> -> memref<1x2x16000xf32, #tpu.memory_space<vmem>>
    %dma_wait3A_540 = tpu.memref_squeeze %dma_wait3A_539 : memref<1x2x16000xf32, #tpu.memory_space<vmem>> -> memref<2x16000xf32, #tpu.memory_space<vmem>>
    %dma_wait3A_541 = arith.constant 0 : i32
    %dma_wait3A_542 = arith.constant 32000 : i32
    %dma_wait3A_543 = tpu.memref_slice %arg2[%select_n3A_369, %select_n3A_385, %dma_wait3A_541, %dma_wait3A_542] : memref<16x4x2x64000xf32, #tpu.memory_space<hbm>> -> memref<1x1x2x16000xf32, #tpu.memory_space<hbm>>
    %dma_wait3A_544 = tpu.memref_squeeze %dma_wait3A_543 : memref<1x1x2x16000xf32, #tpu.memory_space<hbm>> -> memref<2x16000xf32, #tpu.memory_space<hbm>>
    %dma_wait3A_545 = arith.constant 0 : i32
    %dma_wait3A_546 = arith.constant 0 : i32
    %dma_wait3A_547 = tpu.memref_slice %arg4[%dma_wait3A_536, %dma_wait3A_545, %dma_wait3A_546] : memref<4x2x16000xf32, #tpu.memory_space<vmem>> -> memref<1x2x16000xf32, #tpu.memory_space<vmem>>
    %dma_wait3A_548 = tpu.memref_squeeze %dma_wait3A_547 : memref<1x2x16000xf32, #tpu.memory_space<vmem>> -> memref<2x16000xf32, #tpu.memory_space<vmem>>
    %dma_wait3A_549 = arith.constant 0 : i32
    %dma_wait3A_550 = arith.constant 32000 : i32
    %dma_wait3A_551 = tpu.memref_slice %arg2[%select_n3A_369, %select_n3A_385, %dma_wait3A_549, %dma_wait3A_550] : memref<16x4x2x64000xf32, #tpu.memory_space<hbm>> -> memref<1x1x2x16000xf32, #tpu.memory_space<hbm>>
    %dma_wait3A_552 = tpu.memref_squeeze %dma_wait3A_551 : memref<1x1x2x16000xf32, #tpu.memory_space<hbm>> -> memref<2x16000xf32, #tpu.memory_space<hbm>>
    tpu.wait_dma2 semaphore(%arg7 : memref<!tpu.dma_semaphore, #tpu.memory_space<semaphore_mem>>) src(%dma_wait3A_552 : memref<2x16000xf32, #tpu.memory_space<hbm>>) dst(%dma_wait3A_548 : memref<2x16000xf32, #tpu.memory_space<vmem>>)
    %add3A_553 = arith.constant 0 : i32
    %add3A_554 = arith.addi %mul3A_157, %add3A_553 : i32
    %jit3A_555 = arith.constant 4 : i32
    %div3A_556 = arith.divsi %add3A_554, %jit3A_555 : i32
    %sign3A_557 = arith.constant 0 : i32
    %sign3A_558 = arith.cmpi sgt, %add3A_554, %sign3A_557 : i32
    %sign3A_559 = arith.extui %sign3A_558 : i1 to i32
    %sign3A_560 = arith.constant 0 : i32
    %sign3A_561 = arith.cmpi slt, %add3A_554, %sign3A_560 : i32
    %sign3A_562 = arith.extui %sign3A_561 : i1 to i32
    %sign3A_563 = arith.subi %sign3A_559, %sign3A_562 : i32
    %sign3A_564 = arith.constant 0 : i32
    %sign3A_565 = arith.cmpi sgt, %jit3A_555, %sign3A_564 : i32
    %sign3A_566 = arith.extui %sign3A_565 : i1 to i32
    %sign3A_567 = arith.constant 0 : i32
    %sign3A_568 = arith.cmpi slt, %jit3A_555, %sign3A_567 : i32
    %sign3A_569 = arith.extui %sign3A_568 : i1 to i32
    %sign3A_570 = arith.subi %sign3A_566, %sign3A_569 : i32
    %ne3A_571 = arith.cmpi ne, %sign3A_563, %sign3A_570 : i32
    %rem3A_572 = arith.remsi %add3A_554, %jit3A_555 : i32
    %ne3A_573 = arith.constant 0 : i32
    %ne3A_574 = arith.cmpi ne, %rem3A_572, %ne3A_573 : i32
    %and3A_575 = arith.andi %ne3A_571, %ne3A_574 : i1
    %sub3A_576 = arith.constant 1 : i32
    %sub3A_577 = arith.subi %div3A_556, %sub3A_576 : i32
    %select_n3A_578 = arith.select %and3A_575, %sub3A_577, %div3A_556 : i32
    %jit3A_579 = arith.constant 4 : i32
    %eq3A_580 = arith.constant 0 : i32
    %eq3A_581 = arith.cmpi eq, %jit3A_579, %eq3A_580 : i32
    %jit3A_582 = arith.constant 1 : i32
    %select_n3A_583 = arith.select %eq3A_581, %jit3A_582, %jit3A_579 : i32
    %rem3A_584 = arith.remsi %add3A_554, %select_n3A_583 : i32
    %ne3A_585 = arith.constant 0 : i32
    %ne3A_586 = arith.cmpi ne, %rem3A_584, %ne3A_585 : i32
    %lt3A_587 = arith.constant 0 : i32
    %lt3A_588 = arith.cmpi slt, %rem3A_584, %lt3A_587 : i32
    %lt3A_589 = arith.constant 0 : i32
    %lt3A_590 = arith.cmpi slt, %select_n3A_583, %lt3A_589 : i32
    %ne3A_591 = arith.xori %lt3A_588, %lt3A_590 : i1
    %and3A_592 = arith.andi %ne3A_591, %ne3A_586 : i1
    %add3A_593 = arith.addi %rem3A_584, %select_n3A_583 : i32
    %select_n3A_594 = arith.select %and3A_592, %add3A_593, %rem3A_584 : i32
    %dma_start3A_595 = arith.constant 2 : i32
    %dma_start3A_596 = arith.constant 0 : i32
    %dma_start3A_597 = arith.constant 0 : i32
    %dma_start3A_598 = tpu.memref_slice %arg4[%dma_start3A_595, %dma_start3A_596, %dma_start3A_597] : memref<4x2x16000xf32, #tpu.memory_space<vmem>> -> memref<1x2x16000xf32, #tpu.memory_space<vmem>>
    %dma_start3A_599 = tpu.memref_squeeze %dma_start3A_598 : memref<1x2x16000xf32, #tpu.memory_space<vmem>> -> memref<2x16000xf32, #tpu.memory_space<vmem>>
    %dma_start3A_600 = arith.constant 0 : i32
    %dma_start3A_601 = arith.constant 32000 : i32
    %dma_start3A_602 = tpu.memref_slice %arg3[%select_n3A_578, %select_n3A_594, %dma_start3A_600, %dma_start3A_601] : memref<16x4x2x64000xf32, #tpu.memory_space<hbm>> -> memref<1x1x2x16000xf32, #tpu.memory_space<hbm>>
    %dma_start3A_603 = tpu.memref_squeeze %dma_start3A_602 : memref<1x1x2x16000xf32, #tpu.memory_space<hbm>> -> memref<2x16000xf32, #tpu.memory_space<hbm>>
    %dma_start3A_604 = arith.constant 0 : i32
    %dma_start3A_605 = arith.constant 32000 : i32
    %dma_start3A_606 = tpu.memref_slice %arg3[%select_n3A_578, %select_n3A_594, %dma_start3A_604, %dma_start3A_605] : memref<16x4x2x64000xf32, #tpu.memory_space<hbm>> -> memref<1x1x2x16000xf32, #tpu.memory_space<hbm>>
    %dma_start3A_607 = tpu.memref_squeeze %dma_start3A_606 : memref<1x1x2x16000xf32, #tpu.memory_space<hbm>> -> memref<2x16000xf32, #tpu.memory_space<hbm>>
    %dma_start3A_608 = arith.constant 0 : i32
    %dma_start3A_609 = arith.constant 0 : i32
    %dma_start3A_610 = tpu.memref_slice %arg4[%dma_start3A_595, %dma_start3A_608, %dma_start3A_609] : memref<4x2x16000xf32, #tpu.memory_space<vmem>> -> memref<1x2x16000xf32, #tpu.memory_space<vmem>>
    %dma_start3A_611 = tpu.memref_squeeze %dma_start3A_610 : memref<1x2x16000xf32, #tpu.memory_space<vmem>> -> memref<2x16000xf32, #tpu.memory_space<vmem>>
    tpu.enqueue_dma source(%dma_start3A_611 : memref<2x16000xf32, #tpu.memory_space<vmem>>) target(%dma_start3A_607 : memref<2x16000xf32, #tpu.memory_space<hbm>>) target_semaphore(%arg11 : memref<!tpu.dma_semaphore, #tpu.memory_space<semaphore_mem>>)
    %dma_wait3A_612 = arith.constant 0 : i32
    %dma_wait3A_613 = arith.constant 0 : i32
    %dma_wait3A_614 = arith.constant 0 : i32
    %dma_wait3A_615 = tpu.memref_slice %arg4[%dma_wait3A_612, %dma_wait3A_613, %dma_wait3A_614] : memref<4x2x16000xf32, #tpu.memory_space<vmem>> -> memref<1x2x16000xf32, #tpu.memory_space<vmem>>
    %dma_wait3A_616 = tpu.memref_squeeze %dma_wait3A_615 : memref<1x2x16000xf32, #tpu.memory_space<vmem>> -> memref<2x16000xf32, #tpu.memory_space<vmem>>
    %dma_wait3A_617 = arith.constant 0 : i32
    %dma_wait3A_618 = arith.constant 0 : i32
    %dma_wait3A_619 = tpu.memref_slice %arg3[%select_n3A_312, %select_n3A_328, %dma_wait3A_617, %dma_wait3A_618] : memref<16x4x2x64000xf32, #tpu.memory_space<hbm>> -> memref<1x1x2x16000xf32, #tpu.memory_space<hbm>>
    %dma_wait3A_620 = tpu.memref_squeeze %dma_wait3A_619 : memref<1x1x2x16000xf32, #tpu.memory_space<hbm>> -> memref<2x16000xf32, #tpu.memory_space<hbm>>
    %dma_wait3A_621 = arith.constant 0 : i32
    %dma_wait3A_622 = arith.constant 0 : i32
    %dma_wait3A_623 = tpu.memref_slice %arg3[%select_n3A_312, %select_n3A_328, %dma_wait3A_621, %dma_wait3A_622] : memref<16x4x2x64000xf32, #tpu.memory_space<hbm>> -> memref<1x1x2x16000xf32, #tpu.memory_space<hbm>>
    %dma_wait3A_624 = tpu.memref_squeeze %dma_wait3A_623 : memref<1x1x2x16000xf32, #tpu.memory_space<hbm>> -> memref<2x16000xf32, #tpu.memory_space<hbm>>
    %dma_wait3A_625 = arith.constant 0 : i32
    %dma_wait3A_626 = arith.constant 0 : i32
    %dma_wait3A_627 = tpu.memref_slice %arg4[%dma_wait3A_612, %dma_wait3A_625, %dma_wait3A_626] : memref<4x2x16000xf32, #tpu.memory_space<vmem>> -> memref<1x2x16000xf32, #tpu.memory_space<vmem>>
    %dma_wait3A_628 = tpu.memref_squeeze %dma_wait3A_627 : memref<1x2x16000xf32, #tpu.memory_space<vmem>> -> memref<2x16000xf32, #tpu.memory_space<vmem>>
    tpu.wait_dma2 semaphore(%arg9 : memref<!tpu.dma_semaphore, #tpu.memory_space<semaphore_mem>>) src(%dma_wait3A_628 : memref<2x16000xf32, #tpu.memory_space<vmem>>) dst(%dma_wait3A_624 : memref<2x16000xf32, #tpu.memory_space<hbm>>)
    %jit3A_629 = arith.constant 4 : i32
    %div3A_630 = arith.divsi %select_n3A_155, %jit3A_629 : i32
    %sign3A_631 = arith.constant 0 : i32
    %sign3A_632 = arith.cmpi sgt, %select_n3A_155, %sign3A_631 : i32
    %sign3A_633 = arith.extui %sign3A_632 : i1 to i32
    %sign3A_634 = arith.constant 0 : i32
    %sign3A_635 = arith.cmpi slt, %select_n3A_155, %sign3A_634 : i32
    %sign3A_636 = arith.extui %sign3A_635 : i1 to i32
    %sign3A_637 = arith.subi %sign3A_633, %sign3A_636 : i32
    %sign3A_638 = arith.constant 0 : i32
    %sign3A_639 = arith.cmpi sgt, %jit3A_629, %sign3A_638 : i32
    %sign3A_640 = arith.extui %sign3A_639 : i1 to i32
    %sign3A_641 = arith.constant 0 : i32
    %sign3A_642 = arith.cmpi slt, %jit3A_629, %sign3A_641 : i32
    %sign3A_643 = arith.extui %sign3A_642 : i1 to i32
    %sign3A_644 = arith.subi %sign3A_640, %sign3A_643 : i32
    %ne3A_645 = arith.cmpi ne, %sign3A_637, %sign3A_644 : i32
    %rem3A_646 = arith.remsi %select_n3A_155, %jit3A_629 : i32
    %ne3A_647 = arith.constant 0 : i32
    %ne3A_648 = arith.cmpi ne, %rem3A_646, %ne3A_647 : i32
    %and3A_649 = arith.andi %ne3A_645, %ne3A_648 : i1
    %sub3A_650 = arith.constant 1 : i32
    %sub3A_651 = arith.subi %div3A_630, %sub3A_650 : i32
    %select_n3A_652 = arith.select %and3A_649, %sub3A_651, %div3A_630 : i32
    %jit3A_653 = arith.constant 4 : i32
    %eq3A_654 = arith.constant 0 : i32
    %eq3A_655 = arith.cmpi eq, %jit3A_653, %eq3A_654 : i32
    %jit3A_656 = arith.constant 1 : i32
    %select_n3A_657 = arith.select %eq3A_655, %jit3A_656, %jit3A_653 : i32
    %rem3A_658 = arith.remsi %select_n3A_155, %select_n3A_657 : i32
    %ne3A_659 = arith.constant 0 : i32
    %ne3A_660 = arith.cmpi ne, %rem3A_658, %ne3A_659 : i32
    %lt3A_661 = arith.constant 0 : i32
    %lt3A_662 = arith.cmpi slt, %rem3A_658, %lt3A_661 : i32
    %lt3A_663 = arith.constant 0 : i32
    %lt3A_664 = arith.cmpi slt, %select_n3A_657, %lt3A_663 : i32
    %ne3A_665 = arith.xori %lt3A_662, %lt3A_664 : i1
    %and3A_666 = arith.andi %ne3A_665, %ne3A_660 : i1
    %add3A_667 = arith.addi %rem3A_658, %select_n3A_657 : i32
    %select_n3A_668 = arith.select %and3A_666, %add3A_667, %rem3A_658 : i32
    %dma_start3A_669 = arith.constant 0 : i32
    %dma_start3A_670 = arith.constant 0 : i32
    %dma_start3A_671 = arith.constant 0 : i32
    %dma_start3A_672 = tpu.memref_slice %arg4[%dma_start3A_669, %dma_start3A_670, %dma_start3A_671] : memref<4x2x16000xf32, #tpu.memory_space<vmem>> -> memref<1x2x16000xf32, #tpu.memory_space<vmem>>
    %dma_start3A_673 = tpu.memref_squeeze %dma_start3A_672 : memref<1x2x16000xf32, #tpu.memory_space<vmem>> -> memref<2x16000xf32, #tpu.memory_space<vmem>>
    %dma_start3A_674 = arith.constant 0 : i32
    %dma_start3A_675 = arith.constant 0 : i32
    %dma_start3A_676 = tpu.memref_slice %arg2[%select_n3A_652, %select_n3A_668, %dma_start3A_674, %dma_start3A_675] : memref<16x4x2x64000xf32, #tpu.memory_space<hbm>> -> memref<1x1x2x16000xf32, #tpu.memory_space<hbm>>
    %dma_start3A_677 = tpu.memref_squeeze %dma_start3A_676 : memref<1x1x2x16000xf32, #tpu.memory_space<hbm>> -> memref<2x16000xf32, #tpu.memory_space<hbm>>
    %dma_start3A_678 = arith.constant 0 : i32
    %dma_start3A_679 = arith.constant 0 : i32
    %dma_start3A_680 = tpu.memref_slice %arg4[%dma_start3A_669, %dma_start3A_678, %dma_start3A_679] : memref<4x2x16000xf32, #tpu.memory_space<vmem>> -> memref<1x2x16000xf32, #tpu.memory_space<vmem>>
    %dma_start3A_681 = tpu.memref_squeeze %dma_start3A_680 : memref<1x2x16000xf32, #tpu.memory_space<vmem>> -> memref<2x16000xf32, #tpu.memory_space<vmem>>
    %dma_start3A_682 = arith.constant 0 : i32
    %dma_start3A_683 = arith.constant 0 : i32
    %dma_start3A_684 = tpu.memref_slice %arg2[%select_n3A_652, %select_n3A_668, %dma_start3A_682, %dma_start3A_683] : memref<16x4x2x64000xf32, #tpu.memory_space<hbm>> -> memref<1x1x2x16000xf32, #tpu.memory_space<hbm>>
    %dma_start3A_685 = tpu.memref_squeeze %dma_start3A_684 : memref<1x1x2x16000xf32, #tpu.memory_space<hbm>> -> memref<2x16000xf32, #tpu.memory_space<hbm>>
    tpu.enqueue_dma source(%dma_start3A_685 : memref<2x16000xf32, #tpu.memory_space<hbm>>) target(%dma_start3A_681 : memref<2x16000xf32, #tpu.memory_space<vmem>>) target_semaphore(%arg5 : memref<!tpu.dma_semaphore, #tpu.memory_space<semaphore_mem>>)
    %dma_wait3A_686 = arith.constant 3 : i32
    %dma_wait3A_687 = arith.constant 0 : i32
    %dma_wait3A_688 = arith.constant 0 : i32
    %dma_wait3A_689 = tpu.memref_slice %arg4[%dma_wait3A_686, %dma_wait3A_687, %dma_wait3A_688] : memref<4x2x16000xf32, #tpu.memory_space<vmem>> -> memref<1x2x16000xf32, #tpu.memory_space<vmem>>
    %dma_wait3A_690 = tpu.memref_squeeze %dma_wait3A_689 : memref<1x2x16000xf32, #tpu.memory_space<vmem>> -> memref<2x16000xf32, #tpu.memory_space<vmem>>
    %dma_wait3A_691 = arith.constant 0 : i32
    %dma_wait3A_692 = arith.constant 48000 : i32
    %dma_wait3A_693 = tpu.memref_slice %arg2[%select_n3A_502, %select_n3A_518, %dma_wait3A_691, %dma_wait3A_692] : memref<16x4x2x64000xf32, #tpu.memory_space<hbm>> -> memref<1x1x2x16000xf32, #tpu.memory_space<hbm>>
    %dma_wait3A_694 = tpu.memref_squeeze %dma_wait3A_693 : memref<1x1x2x16000xf32, #tpu.memory_space<hbm>> -> memref<2x16000xf32, #tpu.memory_space<hbm>>
    %dma_wait3A_695 = arith.constant 0 : i32
    %dma_wait3A_696 = arith.constant 0 : i32
    %dma_wait3A_697 = tpu.memref_slice %arg4[%dma_wait3A_686, %dma_wait3A_695, %dma_wait3A_696] : memref<4x2x16000xf32, #tpu.memory_space<vmem>> -> memref<1x2x16000xf32, #tpu.memory_space<vmem>>
    %dma_wait3A_698 = tpu.memref_squeeze %dma_wait3A_697 : memref<1x2x16000xf32, #tpu.memory_space<vmem>> -> memref<2x16000xf32, #tpu.memory_space<vmem>>
    %dma_wait3A_699 = arith.constant 0 : i32
    %dma_wait3A_700 = arith.constant 48000 : i32
    %dma_wait3A_701 = tpu.memref_slice %arg2[%select_n3A_502, %select_n3A_518, %dma_wait3A_699, %dma_wait3A_700] : memref<16x4x2x64000xf32, #tpu.memory_space<hbm>> -> memref<1x1x2x16000xf32, #tpu.memory_space<hbm>>
    %dma_wait3A_702 = tpu.memref_squeeze %dma_wait3A_701 : memref<1x1x2x16000xf32, #tpu.memory_space<hbm>> -> memref<2x16000xf32, #tpu.memory_space<hbm>>
    tpu.wait_dma2 semaphore(%arg8 : memref<!tpu.dma_semaphore, #tpu.memory_space<semaphore_mem>>) src(%dma_wait3A_702 : memref<2x16000xf32, #tpu.memory_space<hbm>>) dst(%dma_wait3A_698 : memref<2x16000xf32, #tpu.memory_space<vmem>>)
    %add3A_703 = arith.constant 0 : i32
    %add3A_704 = arith.addi %mul3A_157, %add3A_703 : i32
    %jit3A_705 = arith.constant 4 : i32
    %div3A_706 = arith.divsi %add3A_704, %jit3A_705 : i32
    %sign3A_707 = arith.constant 0 : i32
    %sign3A_708 = arith.cmpi sgt, %add3A_704, %sign3A_707 : i32
    %sign3A_709 = arith.extui %sign3A_708 : i1 to i32
    %sign3A_710 = arith.constant 0 : i32
    %sign3A_711 = arith.cmpi slt, %add3A_704, %sign3A_710 : i32
    %sign3A_712 = arith.extui %sign3A_711 : i1 to i32
    %sign3A_713 = arith.subi %sign3A_709, %sign3A_712 : i32
    %sign3A_714 = arith.constant 0 : i32
    %sign3A_715 = arith.cmpi sgt, %jit3A_705, %sign3A_714 : i32
    %sign3A_716 = arith.extui %sign3A_715 : i1 to i32
    %sign3A_717 = arith.constant 0 : i32
    %sign3A_718 = arith.cmpi slt, %jit3A_705, %sign3A_717 : i32
    %sign3A_719 = arith.extui %sign3A_718 : i1 to i32
    %sign3A_720 = arith.subi %sign3A_716, %sign3A_719 : i32
    %ne3A_721 = arith.cmpi ne, %sign3A_713, %sign3A_720 : i32
    %rem3A_722 = arith.remsi %add3A_704, %jit3A_705 : i32
    %ne3A_723 = arith.constant 0 : i32
    %ne3A_724 = arith.cmpi ne, %rem3A_722, %ne3A_723 : i32
    %and3A_725 = arith.andi %ne3A_721, %ne3A_724 : i1
    %sub3A_726 = arith.constant 1 : i32
    %sub3A_727 = arith.subi %div3A_706, %sub3A_726 : i32
    %select_n3A_728 = arith.select %and3A_725, %sub3A_727, %div3A_706 : i32
    %jit3A_729 = arith.constant 4 : i32
    %eq3A_730 = arith.constant 0 : i32
    %eq3A_731 = arith.cmpi eq, %jit3A_729, %eq3A_730 : i32
    %jit3A_732 = arith.constant 1 : i32
    %select_n3A_733 = arith.select %eq3A_731, %jit3A_732, %jit3A_729 : i32
    %rem3A_734 = arith.remsi %add3A_704, %select_n3A_733 : i32
    %ne3A_735 = arith.constant 0 : i32
    %ne3A_736 = arith.cmpi ne, %rem3A_734, %ne3A_735 : i32
    %lt3A_737 = arith.constant 0 : i32
    %lt3A_738 = arith.cmpi slt, %rem3A_734, %lt3A_737 : i32
    %lt3A_739 = arith.constant 0 : i32
    %lt3A_740 = arith.cmpi slt, %select_n3A_733, %lt3A_739 : i32
    %ne3A_741 = arith.xori %lt3A_738, %lt3A_740 : i1
    %and3A_742 = arith.andi %ne3A_741, %ne3A_736 : i1
    %add3A_743 = arith.addi %rem3A_734, %select_n3A_733 : i32
    %select_n3A_744 = arith.select %and3A_742, %add3A_743, %rem3A_734 : i32
    %dma_start3A_745 = arith.constant 3 : i32
    %dma_start3A_746 = arith.constant 0 : i32
    %dma_start3A_747 = arith.constant 0 : i32
    %dma_start3A_748 = tpu.memref_slice %arg4[%dma_start3A_745, %dma_start3A_746, %dma_start3A_747] : memref<4x2x16000xf32, #tpu.memory_space<vmem>> -> memref<1x2x16000xf32, #tpu.memory_space<vmem>>
    %dma_start3A_749 = tpu.memref_squeeze %dma_start3A_748 : memref<1x2x16000xf32, #tpu.memory_space<vmem>> -> memref<2x16000xf32, #tpu.memory_space<vmem>>
    %dma_start3A_750 = arith.constant 0 : i32
    %dma_start3A_751 = arith.constant 48000 : i32
    %dma_start3A_752 = tpu.memref_slice %arg3[%select_n3A_728, %select_n3A_744, %dma_start3A_750, %dma_start3A_751] : memref<16x4x2x64000xf32, #tpu.memory_space<hbm>> -> memref<1x1x2x16000xf32, #tpu.memory_space<hbm>>
    %dma_start3A_753 = tpu.memref_squeeze %dma_start3A_752 : memref<1x1x2x16000xf32, #tpu.memory_space<hbm>> -> memref<2x16000xf32, #tpu.memory_space<hbm>>
    %dma_start3A_754 = arith.constant 0 : i32
    %dma_start3A_755 = arith.constant 48000 : i32
    %dma_start3A_756 = tpu.memref_slice %arg3[%select_n3A_728, %select_n3A_744, %dma_start3A_754, %dma_start3A_755] : memref<16x4x2x64000xf32, #tpu.memory_space<hbm>> -> memref<1x1x2x16000xf32, #tpu.memory_space<hbm>>
    %dma_start3A_757 = tpu.memref_squeeze %dma_start3A_756 : memref<1x1x2x16000xf32, #tpu.memory_space<hbm>> -> memref<2x16000xf32, #tpu.memory_space<hbm>>
    %dma_start3A_758 = arith.constant 0 : i32
    %dma_start3A_759 = arith.constant 0 : i32
    %dma_start3A_760 = tpu.memref_slice %arg4[%dma_start3A_745, %dma_start3A_758, %dma_start3A_759] : memref<4x2x16000xf32, #tpu.memory_space<vmem>> -> memref<1x2x16000xf32, #tpu.memory_space<vmem>>
    %dma_start3A_761 = tpu.memref_squeeze %dma_start3A_760 : memref<1x2x16000xf32, #tpu.memory_space<vmem>> -> memref<2x16000xf32, #tpu.memory_space<vmem>>
    tpu.enqueue_dma source(%dma_start3A_761 : memref<2x16000xf32, #tpu.memory_space<vmem>>) target(%dma_start3A_757 : memref<2x16000xf32, #tpu.memory_space<hbm>>) target_semaphore(%arg12 : memref<!tpu.dma_semaphore, #tpu.memory_space<semaphore_mem>>)
    %dma_wait3A_762 = arith.constant 1 : i32
    %dma_wait3A_763 = arith.constant 0 : i32
    %dma_wait3A_764 = arith.constant 0 : i32
    %dma_wait3A_765 = tpu.memref_slice %arg4[%dma_wait3A_762, %dma_wait3A_763, %dma_wait3A_764] : memref<4x2x16000xf32, #tpu.memory_space<vmem>> -> memref<1x2x16000xf32, #tpu.memory_space<vmem>>
    %dma_wait3A_766 = tpu.memref_squeeze %dma_wait3A_765 : memref<1x2x16000xf32, #tpu.memory_space<vmem>> -> memref<2x16000xf32, #tpu.memory_space<vmem>>
    %dma_wait3A_767 = arith.constant 0 : i32
    %dma_wait3A_768 = arith.constant 16000 : i32
    %dma_wait3A_769 = tpu.memref_slice %arg3[%select_n3A_445, %select_n3A_461, %dma_wait3A_767, %dma_wait3A_768] : memref<16x4x2x64000xf32, #tpu.memory_space<hbm>> -> memref<1x1x2x16000xf32, #tpu.memory_space<hbm>>
    %dma_wait3A_770 = tpu.memref_squeeze %dma_wait3A_769 : memref<1x1x2x16000xf32, #tpu.memory_space<hbm>> -> memref<2x16000xf32, #tpu.memory_space<hbm>>
    %dma_wait3A_771 = arith.constant 0 : i32
    %dma_wait3A_772 = arith.constant 16000 : i32
    %dma_wait3A_773 = tpu.memref_slice %arg3[%select_n3A_445, %select_n3A_461, %dma_wait3A_771, %dma_wait3A_772] : memref<16x4x2x64000xf32, #tpu.memory_space<hbm>> -> memref<1x1x2x16000xf32, #tpu.memory_space<hbm>>
    %dma_wait3A_774 = tpu.memref_squeeze %dma_wait3A_773 : memref<1x1x2x16000xf32, #tpu.memory_space<hbm>> -> memref<2x16000xf32, #tpu.memory_space<hbm>>
    %dma_wait3A_775 = arith.constant 0 : i32
    %dma_wait3A_776 = arith.constant 0 : i32
    %dma_wait3A_777 = tpu.memref_slice %arg4[%dma_wait3A_762, %dma_wait3A_775, %dma_wait3A_776] : memref<4x2x16000xf32, #tpu.memory_space<vmem>> -> memref<1x2x16000xf32, #tpu.memory_space<vmem>>
    %dma_wait3A_778 = tpu.memref_squeeze %dma_wait3A_777 : memref<1x2x16000xf32, #tpu.memory_space<vmem>> -> memref<2x16000xf32, #tpu.memory_space<vmem>>
    tpu.wait_dma2 semaphore(%arg10 : memref<!tpu.dma_semaphore, #tpu.memory_space<semaphore_mem>>) src(%dma_wait3A_778 : memref<2x16000xf32, #tpu.memory_space<vmem>>) dst(%dma_wait3A_774 : memref<2x16000xf32, #tpu.memory_space<hbm>>)
    %jit3A_779 = arith.constant 4 : i32
    %div3A_780 = arith.divsi %select_n3A_155, %jit3A_779 : i32
    %sign3A_781 = arith.constant 0 : i32
    %sign3A_782 = arith.cmpi sgt, %select_n3A_155, %sign3A_781 : i32
    %sign3A_783 = arith.extui %sign3A_782 : i1 to i32
    %sign3A_784 = arith.constant 0 : i32
    %sign3A_785 = arith.cmpi slt, %select_n3A_155, %sign3A_784 : i32
    %sign3A_786 = arith.extui %sign3A_785 : i1 to i32
    %sign3A_787 = arith.subi %sign3A_783, %sign3A_786 : i32
    %sign3A_788 = arith.constant 0 : i32
    %sign3A_789 = arith.cmpi sgt, %jit3A_779, %sign3A_788 : i32
    %sign3A_790 = arith.extui %sign3A_789 : i1 to i32
    %sign3A_791 = arith.constant 0 : i32
    %sign3A_792 = arith.cmpi slt, %jit3A_779, %sign3A_791 : i32
    %sign3A_793 = arith.extui %sign3A_792 : i1 to i32
    %sign3A_794 = arith.subi %sign3A_790, %sign3A_793 : i32
    %ne3A_795 = arith.cmpi ne, %sign3A_787, %sign3A_794 : i32
    %rem3A_796 = arith.remsi %select_n3A_155, %jit3A_779 : i32
    %ne3A_797 = arith.constant 0 : i32
    %ne3A_798 = arith.cmpi ne, %rem3A_796, %ne3A_797 : i32
    %and3A_799 = arith.andi %ne3A_795, %ne3A_798 : i1
    %sub3A_800 = arith.constant 1 : i32
    %sub3A_801 = arith.subi %div3A_780, %sub3A_800 : i32
    %select_n3A_802 = arith.select %and3A_799, %sub3A_801, %div3A_780 : i32
    %jit3A_803 = arith.constant 4 : i32
    %eq3A_804 = arith.constant 0 : i32
    %eq3A_805 = arith.cmpi eq, %jit3A_803, %eq3A_804 : i32
    %jit3A_806 = arith.constant 1 : i32
    %select_n3A_807 = arith.select %eq3A_805, %jit3A_806, %jit3A_803 : i32
    %rem3A_808 = arith.remsi %select_n3A_155, %select_n3A_807 : i32
    %ne3A_809 = arith.constant 0 : i32
    %ne3A_810 = arith.cmpi ne, %rem3A_808, %ne3A_809 : i32
    %lt3A_811 = arith.constant 0 : i32
    %lt3A_812 = arith.cmpi slt, %rem3A_808, %lt3A_811 : i32
    %lt3A_813 = arith.constant 0 : i32
    %lt3A_814 = arith.cmpi slt, %select_n3A_807, %lt3A_813 : i32
    %ne3A_815 = arith.xori %lt3A_812, %lt3A_814 : i1
    %and3A_816 = arith.andi %ne3A_815, %ne3A_810 : i1
    %add3A_817 = arith.addi %rem3A_808, %select_n3A_807 : i32
    %select_n3A_818 = arith.select %and3A_816, %add3A_817, %rem3A_808 : i32
    %dma_start3A_819 = arith.constant 1 : i32
    %dma_start3A_820 = arith.constant 0 : i32
    %dma_start3A_821 = arith.constant 0 : i32
    %dma_start3A_822 = tpu.memref_slice %arg4[%dma_start3A_819, %dma_start3A_820, %dma_start3A_821] : memref<4x2x16000xf32, #tpu.memory_space<vmem>> -> memref<1x2x16000xf32, #tpu.memory_space<vmem>>
    %dma_start3A_823 = tpu.memref_squeeze %dma_start3A_822 : memref<1x2x16000xf32, #tpu.memory_space<vmem>> -> memref<2x16000xf32, #tpu.memory_space<vmem>>
    %dma_start3A_824 = arith.constant 0 : i32
    %dma_start3A_825 = arith.constant 16000 : i32
    %dma_start3A_826 = tpu.memref_slice %arg2[%select_n3A_802, %select_n3A_818, %dma_start3A_824, %dma_start3A_825] : memref<16x4x2x64000xf32, #tpu.memory_space<hbm>> -> memref<1x1x2x16000xf32, #tpu.memory_space<hbm>>
    %dma_start3A_827 = tpu.memref_squeeze %dma_start3A_826 : memref<1x1x2x16000xf32, #tpu.memory_space<hbm>> -> memref<2x16000xf32, #tpu.memory_space<hbm>>
    %dma_start3A_828 = arith.constant 0 : i32
    %dma_start3A_829 = arith.constant 0 : i32
    %dma_start3A_830 = tpu.memref_slice %arg4[%dma_start3A_819, %dma_start3A_828, %dma_start3A_829] : memref<4x2x16000xf32, #tpu.memory_space<vmem>> -> memref<1x2x16000xf32, #tpu.memory_space<vmem>>
    %dma_start3A_831 = tpu.memref_squeeze %dma_start3A_830 : memref<1x2x16000xf32, #tpu.memory_space<vmem>> -> memref<2x16000xf32, #tpu.memory_space<vmem>>
    %dma_start3A_832 = arith.constant 0 : i32
    %dma_start3A_833 = arith.constant 16000 : i32
    %dma_start3A_834 = tpu.memref_slice %arg2[%select_n3A_802, %select_n3A_818, %dma_start3A_832, %dma_start3A_833] : memref<16x4x2x64000xf32, #tpu.memory_space<hbm>> -> memref<1x1x2x16000xf32, #tpu.memory_space<hbm>>
    %dma_start3A_835 = tpu.memref_squeeze %dma_start3A_834 : memref<1x1x2x16000xf32, #tpu.memory_space<hbm>> -> memref<2x16000xf32, #tpu.memory_space<hbm>>
    tpu.enqueue_dma source(%dma_start3A_835 : memref<2x16000xf32, #tpu.memory_space<hbm>>) target(%dma_start3A_831 : memref<2x16000xf32, #tpu.memory_space<vmem>>) target_semaphore(%arg6 : memref<!tpu.dma_semaphore, #tpu.memory_space<semaphore_mem>>)
    %dma_wait3A_836 = arith.constant 0 : i32
    %dma_wait3A_837 = arith.constant 0 : i32
    %dma_wait3A_838 = arith.constant 0 : i32
    %dma_wait3A_839 = tpu.memref_slice %arg4[%dma_wait3A_836, %dma_wait3A_837, %dma_wait3A_838] : memref<4x2x16000xf32, #tpu.memory_space<vmem>> -> memref<1x2x16000xf32, #tpu.memory_space<vmem>>
    %dma_wait3A_840 = tpu.memref_squeeze %dma_wait3A_839 : memref<1x2x16000xf32, #tpu.memory_space<vmem>> -> memref<2x16000xf32, #tpu.memory_space<vmem>>
    %dma_wait3A_841 = arith.constant 0 : i32
    %dma_wait3A_842 = arith.constant 0 : i32
    %dma_wait3A_843 = tpu.memref_slice %arg2[%select_n3A_652, %select_n3A_668, %dma_wait3A_841, %dma_wait3A_842] : memref<16x4x2x64000xf32, #tpu.memory_space<hbm>> -> memref<1x1x2x16000xf32, #tpu.memory_space<hbm>>
    %dma_wait3A_844 = tpu.memref_squeeze %dma_wait3A_843 : memref<1x1x2x16000xf32, #tpu.memory_space<hbm>> -> memref<2x16000xf32, #tpu.memory_space<hbm>>
    %dma_wait3A_845 = arith.constant 0 : i32
    %dma_wait3A_846 = arith.constant 0 : i32
    %dma_wait3A_847 = tpu.memref_slice %arg4[%dma_wait3A_836, %dma_wait3A_845, %dma_wait3A_846] : memref<4x2x16000xf32, #tpu.memory_space<vmem>> -> memref<1x2x16000xf32, #tpu.memory_space<vmem>>
    %dma_wait3A_848 = tpu.memref_squeeze %dma_wait3A_847 : memref<1x2x16000xf32, #tpu.memory_space<vmem>> -> memref<2x16000xf32, #tpu.memory_space<vmem>>
    %dma_wait3A_849 = arith.constant 0 : i32
    %dma_wait3A_850 = arith.constant 0 : i32
    %dma_wait3A_851 = tpu.memref_slice %arg2[%select_n3A_652, %select_n3A_668, %dma_wait3A_849, %dma_wait3A_850] : memref<16x4x2x64000xf32, #tpu.memory_space<hbm>> -> memref<1x1x2x16000xf32, #tpu.memory_space<hbm>>
    %dma_wait3A_852 = tpu.memref_squeeze %dma_wait3A_851 : memref<1x1x2x16000xf32, #tpu.memory_space<hbm>> -> memref<2x16000xf32, #tpu.memory_space<hbm>>
    tpu.wait_dma2 semaphore(%arg5 : memref<!tpu.dma_semaphore, #tpu.memory_space<semaphore_mem>>) src(%dma_wait3A_852 : memref<2x16000xf32, #tpu.memory_space<hbm>>) dst(%dma_wait3A_848 : memref<2x16000xf32, #tpu.memory_space<vmem>>)
    %add3A_853 = arith.constant 1 : i32
    %add3A_854 = arith.addi %mul3A_157, %add3A_853 : i32
    %jit3A_855 = arith.constant 4 : i32
    %div3A_856 = arith.divsi %add3A_854, %jit3A_855 : i32
    %sign3A_857 = arith.constant 0 : i32
    %sign3A_858 = arith.cmpi sgt, %add3A_854, %sign3A_857 : i32
    %sign3A_859 = arith.extui %sign3A_858 : i1 to i32
    %sign3A_860 = arith.constant 0 : i32
    %sign3A_861 = arith.cmpi slt, %add3A_854, %sign3A_860 : i32
    %sign3A_862 = arith.extui %sign3A_861 : i1 to i32
    %sign3A_863 = arith.subi %sign3A_859, %sign3A_862 : i32
    %sign3A_864 = arith.constant 0 : i32
    %sign3A_865 = arith.cmpi sgt, %jit3A_855, %sign3A_864 : i32
    %sign3A_866 = arith.extui %sign3A_865 : i1 to i32
    %sign3A_867 = arith.constant 0 : i32
    %sign3A_868 = arith.cmpi slt, %jit3A_855, %sign3A_867 : i32
    %sign3A_869 = arith.extui %sign3A_868 : i1 to i32
    %sign3A_870 = arith.subi %sign3A_866, %sign3A_869 : i32
    %ne3A_871 = arith.cmpi ne, %sign3A_863, %sign3A_870 : i32
    %rem3A_872 = arith.remsi %add3A_854, %jit3A_855 : i32
    %ne3A_873 = arith.constant 0 : i32
    %ne3A_874 = arith.cmpi ne, %rem3A_872, %ne3A_873 : i32
    %and3A_875 = arith.andi %ne3A_871, %ne3A_874 : i1
    %sub3A_876 = arith.constant 1 : i32
    %sub3A_877 = arith.subi %div3A_856, %sub3A_876 : i32
    %select_n3A_878 = arith.select %and3A_875, %sub3A_877, %div3A_856 : i32
    %jit3A_879 = arith.constant 4 : i32
    %eq3A_880 = arith.constant 0 : i32
    %eq3A_881 = arith.cmpi eq, %jit3A_879, %eq3A_880 : i32
    %jit3A_882 = arith.constant 1 : i32
    %select_n3A_883 = arith.select %eq3A_881, %jit3A_882, %jit3A_879 : i32
    %rem3A_884 = arith.remsi %add3A_854, %select_n3A_883 : i32
    %ne3A_885 = arith.constant 0 : i32
    %ne3A_886 = arith.cmpi ne, %rem3A_884, %ne3A_885 : i32
    %lt3A_887 = arith.constant 0 : i32
    %lt3A_888 = arith.cmpi slt, %rem3A_884, %lt3A_887 : i32
    %lt3A_889 = arith.constant 0 : i32
    %lt3A_890 = arith.cmpi slt, %select_n3A_883, %lt3A_889 : i32
    %ne3A_891 = arith.xori %lt3A_888, %lt3A_890 : i1
    %and3A_892 = arith.andi %ne3A_891, %ne3A_886 : i1
    %add3A_893 = arith.addi %rem3A_884, %select_n3A_883 : i32
    %select_n3A_894 = arith.select %and3A_892, %add3A_893, %rem3A_884 : i32
    %dma_start3A_895 = arith.constant 0 : i32
    %dma_start3A_896 = arith.constant 0 : i32
    %dma_start3A_897 = arith.constant 0 : i32
    %dma_start3A_898 = tpu.memref_slice %arg4[%dma_start3A_895, %dma_start3A_896, %dma_start3A_897] : memref<4x2x16000xf32, #tpu.memory_space<vmem>> -> memref<1x2x16000xf32, #tpu.memory_space<vmem>>
    %dma_start3A_899 = tpu.memref_squeeze %dma_start3A_898 : memref<1x2x16000xf32, #tpu.memory_space<vmem>> -> memref<2x16000xf32, #tpu.memory_space<vmem>>
    %dma_start3A_900 = arith.constant 0 : i32
    %dma_start3A_901 = arith.constant 0 : i32
    %dma_start3A_902 = tpu.memref_slice %arg3[%select_n3A_878, %select_n3A_894, %dma_start3A_900, %dma_start3A_901] : memref<16x4x2x64000xf32, #tpu.memory_space<hbm>> -> memref<1x1x2x16000xf32, #tpu.memory_space<hbm>>
    %dma_start3A_903 = tpu.memref_squeeze %dma_start3A_902 : memref<1x1x2x16000xf32, #tpu.memory_space<hbm>> -> memref<2x16000xf32, #tpu.memory_space<hbm>>
    %dma_start3A_904 = arith.constant 0 : i32
    %dma_start3A_905 = arith.constant 0 : i32
    %dma_start3A_906 = tpu.memref_slice %arg3[%select_n3A_878, %select_n3A_894, %dma_start3A_904, %dma_start3A_905] : memref<16x4x2x64000xf32, #tpu.memory_space<hbm>> -> memref<1x1x2x16000xf32, #tpu.memory_space<hbm>>
    %dma_start3A_907 = tpu.memref_squeeze %dma_start3A_906 : memref<1x1x2x16000xf32, #tpu.memory_space<hbm>> -> memref<2x16000xf32, #tpu.memory_space<hbm>>
    %dma_start3A_908 = arith.constant 0 : i32
    %dma_start3A_909 = arith.constant 0 : i32
    %dma_start3A_910 = tpu.memref_slice %arg4[%dma_start3A_895, %dma_start3A_908, %dma_start3A_909] : memref<4x2x16000xf32, #tpu.memory_space<vmem>> -> memref<1x2x16000xf32, #tpu.memory_space<vmem>>
    %dma_start3A_911 = tpu.memref_squeeze %dma_start3A_910 : memref<1x2x16000xf32, #tpu.memory_space<vmem>> -> memref<2x16000xf32, #tpu.memory_space<vmem>>
    tpu.enqueue_dma source(%dma_start3A_911 : memref<2x16000xf32, #tpu.memory_space<vmem>>) target(%dma_start3A_907 : memref<2x16000xf32, #tpu.memory_space<hbm>>) target_semaphore(%arg9 : memref<!tpu.dma_semaphore, #tpu.memory_space<semaphore_mem>>)
    %dma_wait3A_912 = arith.constant 2 : i32
    %dma_wait3A_913 = arith.constant 0 : i32
    %dma_wait3A_914 = arith.constant 0 : i32
    %dma_wait3A_915 = tpu.memref_slice %arg4[%dma_wait3A_912, %dma_wait3A_913, %dma_wait3A_914] : memref<4x2x16000xf32, #tpu.memory_space<vmem>> -> memref<1x2x16000xf32, #tpu.memory_space<vmem>>
    %dma_wait3A_916 = tpu.memref_squeeze %dma_wait3A_915 : memref<1x2x16000xf32, #tpu.memory_space<vmem>> -> memref<2x16000xf32, #tpu.memory_space<vmem>>
    %dma_wait3A_917 = arith.constant 0 : i32
    %dma_wait3A_918 = arith.constant 32000 : i32
    %dma_wait3A_919 = tpu.memref_slice %arg3[%select_n3A_578, %select_n3A_594, %dma_wait3A_917, %dma_wait3A_918] : memref<16x4x2x64000xf32, #tpu.memory_space<hbm>> -> memref<1x1x2x16000xf32, #tpu.memory_space<hbm>>
    %dma_wait3A_920 = tpu.memref_squeeze %dma_wait3A_919 : memref<1x1x2x16000xf32, #tpu.memory_space<hbm>> -> memref<2x16000xf32, #tpu.memory_space<hbm>>
    %dma_wait3A_921 = arith.constant 0 : i32
    %dma_wait3A_922 = arith.constant 32000 : i32
    %dma_wait3A_923 = tpu.memref_slice %arg3[%select_n3A_578, %select_n3A_594, %dma_wait3A_921, %dma_wait3A_922] : memref<16x4x2x64000xf32, #tpu.memory_space<hbm>> -> memref<1x1x2x16000xf32, #tpu.memory_space<hbm>>
    %dma_wait3A_924 = tpu.memref_squeeze %dma_wait3A_923 : memref<1x1x2x16000xf32, #tpu.memory_space<hbm>> -> memref<2x16000xf32, #tpu.memory_space<hbm>>
    %dma_wait3A_925 = arith.constant 0 : i32
    %dma_wait3A_926 = arith.constant 0 : i32
    %dma_wait3A_927 = tpu.memref_slice %arg4[%dma_wait3A_912, %dma_wait3A_925, %dma_wait3A_926] : memref<4x2x16000xf32, #tpu.memory_space<vmem>> -> memref<1x2x16000xf32, #tpu.memory_space<vmem>>
    %dma_wait3A_928 = tpu.memref_squeeze %dma_wait3A_927 : memref<1x2x16000xf32, #tpu.memory_space<vmem>> -> memref<2x16000xf32, #tpu.memory_space<vmem>>
    tpu.wait_dma2 semaphore(%arg11 : memref<!tpu.dma_semaphore, #tpu.memory_space<semaphore_mem>>) src(%dma_wait3A_928 : memref<2x16000xf32, #tpu.memory_space<vmem>>) dst(%dma_wait3A_924 : memref<2x16000xf32, #tpu.memory_space<hbm>>)
    %jit3A_929 = arith.constant 4 : i32
    %div3A_930 = arith.divsi %select_n3A_155, %jit3A_929 : i32
    %sign3A_931 = arith.constant 0 : i32
    %sign3A_932 = arith.cmpi sgt, %select_n3A_155, %sign3A_931 : i32
    %sign3A_933 = arith.extui %sign3A_932 : i1 to i32
    %sign3A_934 = arith.constant 0 : i32
    %sign3A_935 = arith.cmpi slt, %select_n3A_155, %sign3A_934 : i32
    %sign3A_936 = arith.extui %sign3A_935 : i1 to i32
    %sign3A_937 = arith.subi %sign3A_933, %sign3A_936 : i32
    %sign3A_938 = arith.constant 0 : i32
    %sign3A_939 = arith.cmpi sgt, %jit3A_929, %sign3A_938 : i32
    %sign3A_940 = arith.extui %sign3A_939 : i1 to i32
    %sign3A_941 = arith.constant 0 : i32
    %sign3A_942 = arith.cmpi slt, %jit3A_929, %sign3A_941 : i32
    %sign3A_943 = arith.extui %sign3A_942 : i1 to i32
    %sign3A_944 = arith.subi %sign3A_940, %sign3A_943 : i32
    %ne3A_945 = arith.cmpi ne, %sign3A_937, %sign3A_944 : i32
    %rem3A_946 = arith.remsi %select_n3A_155, %jit3A_929 : i32
    %ne3A_947 = arith.constant 0 : i32
    %ne3A_948 = arith.cmpi ne, %rem3A_946, %ne3A_947 : i32
    %and3A_949 = arith.andi %ne3A_945, %ne3A_948 : i1
    %sub3A_950 = arith.constant 1 : i32
    %sub3A_951 = arith.subi %div3A_930, %sub3A_950 : i32
    %select_n3A_952 = arith.select %and3A_949, %sub3A_951, %div3A_930 : i32
    %jit3A_953 = arith.constant 4 : i32
    %eq3A_954 = arith.constant 0 : i32
    %eq3A_955 = arith.cmpi eq, %jit3A_953, %eq3A_954 : i32
    %jit3A_956 = arith.constant 1 : i32
    %select_n3A_957 = arith.select %eq3A_955, %jit3A_956, %jit3A_953 : i32
    %rem3A_958 = arith.remsi %select_n3A_155, %select_n3A_957 : i32
    %ne3A_959 = arith.constant 0 : i32
    %ne3A_960 = arith.cmpi ne, %rem3A_958, %ne3A_959 : i32
    %lt3A_961 = arith.constant 0 : i32
    %lt3A_962 = arith.cmpi slt, %rem3A_958, %lt3A_961 : i32
    %lt3A_963 = arith.constant 0 : i32
    %lt3A_964 = arith.cmpi slt, %select_n3A_957, %lt3A_963 : i32
    %ne3A_965 = arith.xori %lt3A_962, %lt3A_964 : i1
    %and3A_966 = arith.andi %ne3A_965, %ne3A_960 : i1
    %add3A_967 = arith.addi %rem3A_958, %select_n3A_957 : i32
    %select_n3A_968 = arith.select %and3A_966, %add3A_967, %rem3A_958 : i32
    %dma_start3A_969 = arith.constant 2 : i32
    %dma_start3A_970 = arith.constant 0 : i32
    %dma_start3A_971 = arith.constant 0 : i32
    %dma_start3A_972 = tpu.memref_slice %arg4[%dma_start3A_969, %dma_start3A_970, %dma_start3A_971] : memref<4x2x16000xf32, #tpu.memory_space<vmem>> -> memref<1x2x16000xf32, #tpu.memory_space<vmem>>
    %dma_start3A_973 = tpu.memref_squeeze %dma_start3A_972 : memref<1x2x16000xf32, #tpu.memory_space<vmem>> -> memref<2x16000xf32, #tpu.memory_space<vmem>>
    %dma_start3A_974 = arith.constant 0 : i32
    %dma_start3A_975 = arith.constant 32000 : i32
    %dma_start3A_976 = tpu.memref_slice %arg2[%select_n3A_952, %select_n3A_968, %dma_start3A_974, %dma_start3A_975] : memref<16x4x2x64000xf32, #tpu.memory_space<hbm>> -> memref<1x1x2x16000xf32, #tpu.memory_space<hbm>>
    %dma_start3A_977 = tpu.memref_squeeze %dma_start3A_976 : memref<1x1x2x16000xf32, #tpu.memory_space<hbm>> -> memref<2x16000xf32, #tpu.memory_space<hbm>>
    %dma_start3A_978 = arith.constant 0 : i32
    %dma_start3A_979 = arith.constant 0 : i32
    %dma_start3A_980 = tpu.memref_slice %arg4[%dma_start3A_969, %dma_start3A_978, %dma_start3A_979] : memref<4x2x16000xf32, #tpu.memory_space<vmem>> -> memref<1x2x16000xf32, #tpu.memory_space<vmem>>
    %dma_start3A_981 = tpu.memref_squeeze %dma_start3A_980 : memref<1x2x16000xf32, #tpu.memory_space<vmem>> -> memref<2x16000xf32, #tpu.memory_space<vmem>>
    %dma_start3A_982 = arith.constant 0 : i32
    %dma_start3A_983 = arith.constant 32000 : i32
    %dma_start3A_984 = tpu.memref_slice %arg2[%select_n3A_952, %select_n3A_968, %dma_start3A_982, %dma_start3A_983] : memref<16x4x2x64000xf32, #tpu.memory_space<hbm>> -> memref<1x1x2x16000xf32, #tpu.memory_space<hbm>>
    %dma_start3A_985 = tpu.memref_squeeze %dma_start3A_984 : memref<1x1x2x16000xf32, #tpu.memory_space<hbm>> -> memref<2x16000xf32, #tpu.memory_space<hbm>>
    tpu.enqueue_dma source(%dma_start3A_985 : memref<2x16000xf32, #tpu.memory_space<hbm>>) target(%dma_start3A_981 : memref<2x16000xf32, #tpu.memory_space<vmem>>) target_semaphore(%arg7 : memref<!tpu.dma_semaphore, #tpu.memory_space<semaphore_mem>>)
    %dma_wait3A_986 = arith.constant 1 : i32
    %dma_wait3A_987 = arith.constant 0 : i32
    %dma_wait3A_988 = arith.constant 0 : i32
    %dma_wait3A_989 = tpu.memref_slice %arg4[%dma_wait3A_986, %dma_wait3A_987, %dma_wait3A_988] : memref<4x2x16000xf32, #tpu.memory_space<vmem>> -> memref<1x2x16000xf32, #tpu.memory_space<vmem>>
    %dma_wait3A_990 = tpu.memref_squeeze %dma_wait3A_989 : memref<1x2x16000xf32, #tpu.memory_space<vmem>> -> memref<2x16000xf32, #tpu.memory_space<vmem>>
    %dma_wait3A_991 = arith.constant 0 : i32
    %dma_wait3A_992 = arith.constant 16000 : i32
    %dma_wait3A_993 = tpu.memref_slice %arg2[%select_n3A_802, %select_n3A_818, %dma_wait3A_991, %dma_wait3A_992] : memref<16x4x2x64000xf32, #tpu.memory_space<hbm>> -> memref<1x1x2x16000xf32, #tpu.memory_space<hbm>>
    %dma_wait3A_994 = tpu.memref_squeeze %dma_wait3A_993 : memref<1x1x2x16000xf32, #tpu.memory_space<hbm>> -> memref<2x16000xf32, #tpu.memory_space<hbm>>
    %dma_wait3A_995 = arith.constant 0 : i32
    %dma_wait3A_996 = arith.constant 0 : i32
    %dma_wait3A_997 = tpu.memref_slice %arg4[%dma_wait3A_986, %dma_wait3A_995, %dma_wait3A_996] : memref<4x2x16000xf32, #tpu.memory_space<vmem>> -> memref<1x2x16000xf32, #tpu.memory_space<vmem>>
    %dma_wait3A_998 = tpu.memref_squeeze %dma_wait3A_997 : memref<1x2x16000xf32, #tpu.memory_space<vmem>> -> memref<2x16000xf32, #tpu.memory_space<vmem>>
    %dma_wait3A_999 = arith.constant 0 : i32
    %dma_wait3A_1000 = arith.constant 16000 : i32
    %dma_wait3A_1001 = tpu.memref_slice %arg2[%select_n3A_802, %select_n3A_818, %dma_wait3A_999, %dma_wait3A_1000] : memref<16x4x2x64000xf32, #tpu.memory_space<hbm>> -> memref<1x1x2x16000xf32, #tpu.memory_space<hbm>>
    %dma_wait3A_1002 = tpu.memref_squeeze %dma_wait3A_1001 : memref<1x1x2x16000xf32, #tpu.memory_space<hbm>> -> memref<2x16000xf32, #tpu.memory_space<hbm>>
    tpu.wait_dma2 semaphore(%arg6 : memref<!tpu.dma_semaphore, #tpu.memory_space<semaphore_mem>>) src(%dma_wait3A_1002 : memref<2x16000xf32, #tpu.memory_space<hbm>>) dst(%dma_wait3A_998 : memref<2x16000xf32, #tpu.memory_space<vmem>>)
    %add3A_1003 = arith.constant 1 : i32
    %add3A_1004 = arith.addi %mul3A_157, %add3A_1003 : i32
    %jit3A_1005 = arith.constant 4 : i32
    %div3A_1006 = arith.divsi %add3A_1004, %jit3A_1005 : i32
    %sign3A_1007 = arith.constant 0 : i32
    %sign3A_1008 = arith.cmpi sgt, %add3A_1004, %sign3A_1007 : i32
    %sign3A_1009 = arith.extui %sign3A_1008 : i1 to i32
    %sign3A_1010 = arith.constant 0 : i32
    %sign3A_1011 = arith.cmpi slt, %add3A_1004, %sign3A_1010 : i32
    %sign3A_1012 = arith.extui %sign3A_1011 : i1 to i32
    %sign3A_1013 = arith.subi %sign3A_1009, %sign3A_1012 : i32
    %sign3A_1014 = arith.constant 0 : i32
    %sign3A_1015 = arith.cmpi sgt, %jit3A_1005, %sign3A_1014 : i32
    %sign3A_1016 = arith.extui %sign3A_1015 : i1 to i32
    %sign3A_1017 = arith.constant 0 : i32
    %sign3A_1018 = arith.cmpi slt, %jit3A_1005, %sign3A_1017 : i32
    %sign3A_1019 = arith.extui %sign3A_1018 : i1 to i32
    %sign3A_1020 = arith.subi %sign3A_1016, %sign3A_1019 : i32
    %ne3A_1021 = arith.cmpi ne, %sign3A_1013, %sign3A_1020 : i32
    %rem3A_1022 = arith.remsi %add3A_1004, %jit3A_1005 : i32
    %ne3A_1023 = arith.constant 0 : i32
    %ne3A_1024 = arith.cmpi ne, %rem3A_1022, %ne3A_1023 : i32
    %and3A_1025 = arith.andi %ne3A_1021, %ne3A_1024 : i1
    %sub3A_1026 = arith.constant 1 : i32
    %sub3A_1027 = arith.subi %div3A_1006, %sub3A_1026 : i32
    %select_n3A_1028 = arith.select %and3A_1025, %sub3A_1027, %div3A_1006 : i32
    %jit3A_1029 = arith.constant 4 : i32
    %eq3A_1030 = arith.constant 0 : i32
    %eq3A_1031 = arith.cmpi eq, %jit3A_1029, %eq3A_1030 : i32
    %jit3A_1032 = arith.constant 1 : i32
    %select_n3A_1033 = arith.select %eq3A_1031, %jit3A_1032, %jit3A_1029 : i32
    %rem3A_1034 = arith.remsi %add3A_1004, %select_n3A_1033 : i32
    %ne3A_1035 = arith.constant 0 : i32
    %ne3A_1036 = arith.cmpi ne, %rem3A_1034, %ne3A_1035 : i32
    %lt3A_1037 = arith.constant 0 : i32
    %lt3A_1038 = arith.cmpi slt, %rem3A_1034, %lt3A_1037 : i32
    %lt3A_1039 = arith.constant 0 : i32
    %lt3A_1040 = arith.cmpi slt, %select_n3A_1033, %lt3A_1039 : i32
    %ne3A_1041 = arith.xori %lt3A_1038, %lt3A_1040 : i1
    %and3A_1042 = arith.andi %ne3A_1041, %ne3A_1036 : i1
    %add3A_1043 = arith.addi %rem3A_1034, %select_n3A_1033 : i32
    %select_n3A_1044 = arith.select %and3A_1042, %add3A_1043, %rem3A_1034 : i32
    %dma_start3A_1045 = arith.constant 1 : i32
    %dma_start3A_1046 = arith.constant 0 : i32
    %dma_start3A_1047 = arith.constant 0 : i32
    %dma_start3A_1048 = tpu.memref_slice %arg4[%dma_start3A_1045, %dma_start3A_1046, %dma_start3A_1047] : memref<4x2x16000xf32, #tpu.memory_space<vmem>> -> memref<1x2x16000xf32, #tpu.memory_space<vmem>>
    %dma_start3A_1049 = tpu.memref_squeeze %dma_start3A_1048 : memref<1x2x16000xf32, #tpu.memory_space<vmem>> -> memref<2x16000xf32, #tpu.memory_space<vmem>>
    %dma_start3A_1050 = arith.constant 0 : i32
    %dma_start3A_1051 = arith.constant 16000 : i32
    %dma_start3A_1052 = tpu.memref_slice %arg3[%select_n3A_1028, %select_n3A_1044, %dma_start3A_1050, %dma_start3A_1051] : memref<16x4x2x64000xf32, #tpu.memory_space<hbm>> -> memref<1x1x2x16000xf32, #tpu.memory_space<hbm>>
    %dma_start3A_1053 = tpu.memref_squeeze %dma_start3A_1052 : memref<1x1x2x16000xf32, #tpu.memory_space<hbm>> -> memref<2x16000xf32, #tpu.memory_space<hbm>>
    %dma_start3A_1054 = arith.constant 0 : i32
    %dma_start3A_1055 = arith.constant 16000 : i32
    %dma_start3A_1056 = tpu.memref_slice %arg3[%select_n3A_1028, %select_n3A_1044, %dma_start3A_1054, %dma_start3A_1055] : memref<16x4x2x64000xf32, #tpu.memory_space<hbm>> -> memref<1x1x2x16000xf32, #tpu.memory_space<hbm>>
    %dma_start3A_1057 = tpu.memref_squeeze %dma_start3A_1056 : memref<1x1x2x16000xf32, #tpu.memory_space<hbm>> -> memref<2x16000xf32, #tpu.memory_space<hbm>>
    %dma_start3A_1058 = arith.constant 0 : i32
    %dma_start3A_1059 = arith.constant 0 : i32
    %dma_start3A_1060 = tpu.memref_slice %arg4[%dma_start3A_1045, %dma_start3A_1058, %dma_start3A_1059] : memref<4x2x16000xf32, #tpu.memory_space<vmem>> -> memref<1x2x16000xf32, #tpu.memory_space<vmem>>
    %dma_start3A_1061 = tpu.memref_squeeze %dma_start3A_1060 : memref<1x2x16000xf32, #tpu.memory_space<vmem>> -> memref<2x16000xf32, #tpu.memory_space<vmem>>
    tpu.enqueue_dma source(%dma_start3A_1061 : memref<2x16000xf32, #tpu.memory_space<vmem>>) target(%dma_start3A_1057 : memref<2x16000xf32, #tpu.memory_space<hbm>>) target_semaphore(%arg10 : memref<!tpu.dma_semaphore, #tpu.memory_space<semaphore_mem>>)
    %dma_wait3A_1062 = arith.constant 3 : i32
    %dma_wait3A_1063 = arith.constant 0 : i32
    %dma_wait3A_1064 = arith.constant 0 : i32
    %dma_wait3A_1065 = tpu.memref_slice %arg4[%dma_wait3A_1062, %dma_wait3A_1063, %dma_wait3A_1064] : memref<4x2x16000xf32, #tpu.memory_space<vmem>> -> memref<1x2x16000xf32, #tpu.memory_space<vmem>>
    %dma_wait3A_1066 = tpu.memref_squeeze %dma_wait3A_1065 : memref<1x2x16000xf32, #tpu.memory_space<vmem>> -> memref<2x16000xf32, #tpu.memory_space<vmem>>
    %dma_wait3A_1067 = arith.constant 0 : i32
    %dma_wait3A_1068 = arith.constant 48000 : i32
    %dma_wait3A_1069 = tpu.memref_slice %arg3[%select_n3A_728, %select_n3A_744, %dma_wait3A_1067, %dma_wait3A_1068] : memref<16x4x2x64000xf32, #tpu.memory_space<hbm>> -> memref<1x1x2x16000xf32, #tpu.memory_space<hbm>>
    %dma_wait3A_1070 = tpu.memref_squeeze %dma_wait3A_1069 : memref<1x1x2x16000xf32, #tpu.memory_space<hbm>> -> memref<2x16000xf32, #tpu.memory_space<hbm>>
    %dma_wait3A_1071 = arith.constant 0 : i32
    %dma_wait3A_1072 = arith.constant 48000 : i32
    %dma_wait3A_1073 = tpu.memref_slice %arg3[%select_n3A_728, %select_n3A_744, %dma_wait3A_1071, %dma_wait3A_1072] : memref<16x4x2x64000xf32, #tpu.memory_space<hbm>> -> memref<1x1x2x16000xf32, #tpu.memory_space<hbm>>
    %dma_wait3A_1074 = tpu.memref_squeeze %dma_wait3A_1073 : memref<1x1x2x16000xf32, #tpu.memory_space<hbm>> -> memref<2x16000xf32, #tpu.memory_space<hbm>>
    %dma_wait3A_1075 = arith.constant 0 : i32
    %dma_wait3A_1076 = arith.constant 0 : i32
    %dma_wait3A_1077 = tpu.memref_slice %arg4[%dma_wait3A_1062, %dma_wait3A_1075, %dma_wait3A_1076] : memref<4x2x16000xf32, #tpu.memory_space<vmem>> -> memref<1x2x16000xf32, #tpu.memory_space<vmem>>
    %dma_wait3A_1078 = tpu.memref_squeeze %dma_wait3A_1077 : memref<1x2x16000xf32, #tpu.memory_space<vmem>> -> memref<2x16000xf32, #tpu.memory_space<vmem>>
    tpu.wait_dma2 semaphore(%arg12 : memref<!tpu.dma_semaphore, #tpu.memory_space<semaphore_mem>>) src(%dma_wait3A_1078 : memref<2x16000xf32, #tpu.memory_space<vmem>>) dst(%dma_wait3A_1074 : memref<2x16000xf32, #tpu.memory_space<hbm>>)
    %jit3A_1079 = arith.constant 4 : i32
    %div3A_1080 = arith.divsi %select_n3A_155, %jit3A_1079 : i32
    %sign3A_1081 = arith.constant 0 : i32
    %sign3A_1082 = arith.cmpi sgt, %select_n3A_155, %sign3A_1081 : i32
    %sign3A_1083 = arith.extui %sign3A_1082 : i1 to i32
    %sign3A_1084 = arith.constant 0 : i32
    %sign3A_1085 = arith.cmpi slt, %select_n3A_155, %sign3A_1084 : i32
    %sign3A_1086 = arith.extui %sign3A_1085 : i1 to i32
    %sign3A_1087 = arith.subi %sign3A_1083, %sign3A_1086 : i32
    %sign3A_1088 = arith.constant 0 : i32
    %sign3A_1089 = arith.cmpi sgt, %jit3A_1079, %sign3A_1088 : i32
    %sign3A_1090 = arith.extui %sign3A_1089 : i1 to i32
    %sign3A_1091 = arith.constant 0 : i32
    %sign3A_1092 = arith.cmpi slt, %jit3A_1079, %sign3A_1091 : i32
    %sign3A_1093 = arith.extui %sign3A_1092 : i1 to i32
    %sign3A_1094 = arith.subi %sign3A_1090, %sign3A_1093 : i32
    %ne3A_1095 = arith.cmpi ne, %sign3A_1087, %sign3A_1094 : i32
    %rem3A_1096 = arith.remsi %select_n3A_155, %jit3A_1079 : i32
    %ne3A_1097 = arith.constant 0 : i32
    %ne3A_1098 = arith.cmpi ne, %rem3A_1096, %ne3A_1097 : i32
    %and3A_1099 = arith.andi %ne3A_1095, %ne3A_1098 : i1
    %sub3A_1100 = arith.constant 1 : i32
    %sub3A_1101 = arith.subi %div3A_1080, %sub3A_1100 : i32
    %select_n3A_1102 = arith.select %and3A_1099, %sub3A_1101, %div3A_1080 : i32
    %jit3A_1103 = arith.constant 4 : i32
    %eq3A_1104 = arith.constant 0 : i32
    %eq3A_1105 = arith.cmpi eq, %jit3A_1103, %eq3A_1104 : i32
    %jit3A_1106 = arith.constant 1 : i32
    %select_n3A_1107 = arith.select %eq3A_1105, %jit3A_1106, %jit3A_1103 : i32
    %rem3A_1108 = arith.remsi %select_n3A_155, %select_n3A_1107 : i32
    %ne3A_1109 = arith.constant 0 : i32
    %ne3A_1110 = arith.cmpi ne, %rem3A_1108, %ne3A_1109 : i32
    %lt3A_1111 = arith.constant 0 : i32
    %lt3A_1112 = arith.cmpi slt, %rem3A_1108, %lt3A_1111 : i32
    %lt3A_1113 = arith.constant 0 : i32
    %lt3A_1114 = arith.cmpi slt, %select_n3A_1107, %lt3A_1113 : i32
    %ne3A_1115 = arith.xori %lt3A_1112, %lt3A_1114 : i1
    %and3A_1116 = arith.andi %ne3A_1115, %ne3A_1110 : i1
    %add3A_1117 = arith.addi %rem3A_1108, %select_n3A_1107 : i32
    %select_n3A_1118 = arith.select %and3A_1116, %add3A_1117, %rem3A_1108 : i32
    %dma_start3A_1119 = arith.constant 3 : i32
    %dma_start3A_1120 = arith.constant 0 : i32
    %dma_start3A_1121 = arith.constant 0 : i32
    %dma_start3A_1122 = tpu.memref_slice %arg4[%dma_start3A_1119, %dma_start3A_1120, %dma_start3A_1121] : memref<4x2x16000xf32, #tpu.memory_space<vmem>> -> memref<1x2x16000xf32, #tpu.memory_space<vmem>>
    %dma_start3A_1123 = tpu.memref_squeeze %dma_start3A_1122 : memref<1x2x16000xf32, #tpu.memory_space<vmem>> -> memref<2x16000xf32, #tpu.memory_space<vmem>>
    %dma_start3A_1124 = arith.constant 0 : i32
    %dma_start3A_1125 = arith.constant 48000 : i32
    %dma_start3A_1126 = tpu.memref_slice %arg2[%select_n3A_1102, %select_n3A_1118, %dma_start3A_1124, %dma_start3A_1125] : memref<16x4x2x64000xf32, #tpu.memory_space<hbm>> -> memref<1x1x2x16000xf32, #tpu.memory_space<hbm>>
    %dma_start3A_1127 = tpu.memref_squeeze %dma_start3A_1126 : memref<1x1x2x16000xf32, #tpu.memory_space<hbm>> -> memref<2x16000xf32, #tpu.memory_space<hbm>>
    %dma_start3A_1128 = arith.constant 0 : i32
    %dma_start3A_1129 = arith.constant 0 : i32
    %dma_start3A_1130 = tpu.memref_slice %arg4[%dma_start3A_1119, %dma_start3A_1128, %dma_start3A_1129] : memref<4x2x16000xf32, #tpu.memory_space<vmem>> -> memref<1x2x16000xf32, #tpu.memory_space<vmem>>
    %dma_start3A_1131 = tpu.memref_squeeze %dma_start3A_1130 : memref<1x2x16000xf32, #tpu.memory_space<vmem>> -> memref<2x16000xf32, #tpu.memory_space<vmem>>
    %dma_start3A_1132 = arith.constant 0 : i32
    %dma_start3A_1133 = arith.constant 48000 : i32
    %dma_start3A_1134 = tpu.memref_slice %arg2[%select_n3A_1102, %select_n3A_1118, %dma_start3A_1132, %dma_start3A_1133] : memref<16x4x2x64000xf32, #tpu.memory_space<hbm>> -> memref<1x1x2x16000xf32, #tpu.memory_space<hbm>>
    %dma_start3A_1135 = tpu.memref_squeeze %dma_start3A_1134 : memref<1x1x2x16000xf32, #tpu.memory_space<hbm>> -> memref<2x16000xf32, #tpu.memory_space<hbm>>
    tpu.enqueue_dma source(%dma_start3A_1135 : memref<2x16000xf32, #tpu.memory_space<hbm>>) target(%dma_start3A_1131 : memref<2x16000xf32, #tpu.memory_space<vmem>>) target_semaphore(%arg8 : memref<!tpu.dma_semaphore, #tpu.memory_space<semaphore_mem>>)
    %dma_wait3A_1136 = arith.constant 2 : i32
    %dma_wait3A_1137 = arith.constant 0 : i32
    %dma_wait3A_1138 = arith.constant 0 : i32
    %dma_wait3A_1139 = tpu.memref_slice %arg4[%dma_wait3A_1136, %dma_wait3A_1137, %dma_wait3A_1138] : memref<4x2x16000xf32, #tpu.memory_space<vmem>> -> memref<1x2x16000xf32, #tpu.memory_space<vmem>>
    %dma_wait3A_1140 = tpu.memref_squeeze %dma_wait3A_1139 : memref<1x2x16000xf32, #tpu.memory_space<vmem>> -> memref<2x16000xf32, #tpu.memory_space<vmem>>
    %dma_wait3A_1141 = arith.constant 0 : i32
    %dma_wait3A_1142 = arith.constant 32000 : i32
    %dma_wait3A_1143 = tpu.memref_slice %arg2[%select_n3A_952, %select_n3A_968, %dma_wait3A_1141, %dma_wait3A_1142] : memref<16x4x2x64000xf32, #tpu.memory_space<hbm>> -> memref<1x1x2x16000xf32, #tpu.memory_space<hbm>>
    %dma_wait3A_1144 = tpu.memref_squeeze %dma_wait3A_1143 : memref<1x1x2x16000xf32, #tpu.memory_space<hbm>> -> memref<2x16000xf32, #tpu.memory_space<hbm>>
    %dma_wait3A_1145 = arith.constant 0 : i32
    %dma_wait3A_1146 = arith.constant 0 : i32
    %dma_wait3A_1147 = tpu.memref_slice %arg4[%dma_wait3A_1136, %dma_wait3A_1145, %dma_wait3A_1146] : memref<4x2x16000xf32, #tpu.memory_space<vmem>> -> memref<1x2x16000xf32, #tpu.memory_space<vmem>>
    %dma_wait3A_1148 = tpu.memref_squeeze %dma_wait3A_1147 : memref<1x2x16000xf32, #tpu.memory_space<vmem>> -> memref<2x16000xf32, #tpu.memory_space<vmem>>
    %dma_wait3A_1149 = arith.constant 0 : i32
    %dma_wait3A_1150 = arith.constant 32000 : i32
    %dma_wait3A_1151 = tpu.memref_slice %arg2[%select_n3A_952, %select_n3A_968, %dma_wait3A_1149, %dma_wait3A_1150] : memref<16x4x2x64000xf32, #tpu.memory_space<hbm>> -> memref<1x1x2x16000xf32, #tpu.memory_space<hbm>>
    %dma_wait3A_1152 = tpu.memref_squeeze %dma_wait3A_1151 : memref<1x1x2x16000xf32, #tpu.memory_space<hbm>> -> memref<2x16000xf32, #tpu.memory_space<hbm>>
    tpu.wait_dma2 semaphore(%arg7 : memref<!tpu.dma_semaphore, #tpu.memory_space<semaphore_mem>>) src(%dma_wait3A_1152 : memref<2x16000xf32, #tpu.memory_space<hbm>>) dst(%dma_wait3A_1148 : memref<2x16000xf32, #tpu.memory_space<vmem>>)
    %add3A_1153 = arith.constant 1 : i32
    %add3A_1154 = arith.addi %mul3A_157, %add3A_1153 : i32
    %jit3A_1155 = arith.constant 4 : i32
    %div3A_1156 = arith.divsi %add3A_1154, %jit3A_1155 : i32
    %sign3A_1157 = arith.constant 0 : i32
    %sign3A_1158 = arith.cmpi sgt, %add3A_1154, %sign3A_1157 : i32
    %sign3A_1159 = arith.extui %sign3A_1158 : i1 to i32
    %sign3A_1160 = arith.constant 0 : i32
    %sign3A_1161 = arith.cmpi slt, %add3A_1154, %sign3A_1160 : i32
    %sign3A_1162 = arith.extui %sign3A_1161 : i1 to i32
    %sign3A_1163 = arith.subi %sign3A_1159, %sign3A_1162 : i32
    %sign3A_1164 = arith.constant 0 : i32
    %sign3A_1165 = arith.cmpi sgt, %jit3A_1155, %sign3A_1164 : i32
    %sign3A_1166 = arith.extui %sign3A_1165 : i1 to i32
    %sign3A_1167 = arith.constant 0 : i32
    %sign3A_1168 = arith.cmpi slt, %jit3A_1155, %sign3A_1167 : i32
    %sign3A_1169 = arith.extui %sign3A_1168 : i1 to i32
    %sign3A_1170 = arith.subi %sign3A_1166, %sign3A_1169 : i32
    %ne3A_1171 = arith.cmpi ne, %sign3A_1163, %sign3A_1170 : i32
    %rem3A_1172 = arith.remsi %add3A_1154, %jit3A_1155 : i32
    %ne3A_1173 = arith.constant 0 : i32
    %ne3A_1174 = arith.cmpi ne, %rem3A_1172, %ne3A_1173 : i32
    %and3A_1175 = arith.andi %ne3A_1171, %ne3A_1174 : i1
    %sub3A_1176 = arith.constant 1 : i32
    %sub3A_1177 = arith.subi %div3A_1156, %sub3A_1176 : i32
    %select_n3A_1178 = arith.select %and3A_1175, %sub3A_1177, %div3A_1156 : i32
    %jit3A_1179 = arith.constant 4 : i32
    %eq3A_1180 = arith.constant 0 : i32
    %eq3A_1181 = arith.cmpi eq, %jit3A_1179, %eq3A_1180 : i32
    %jit3A_1182 = arith.constant 1 : i32
    %select_n3A_1183 = arith.select %eq3A_1181, %jit3A_1182, %jit3A_1179 : i32
    %rem3A_1184 = arith.remsi %add3A_1154, %select_n3A_1183 : i32
    %ne3A_1185 = arith.constant 0 : i32
    %ne3A_1186 = arith.cmpi ne, %rem3A_1184, %ne3A_1185 : i32
    %lt3A_1187 = arith.constant 0 : i32
    %lt3A_1188 = arith.cmpi slt, %rem3A_1184, %lt3A_1187 : i32
    %lt3A_1189 = arith.constant 0 : i32
    %lt3A_1190 = arith.cmpi slt, %select_n3A_1183, %lt3A_1189 : i32
    %ne3A_1191 = arith.xori %lt3A_1188, %lt3A_1190 : i1
    %and3A_1192 = arith.andi %ne3A_1191, %ne3A_1186 : i1
    %add3A_1193 = arith.addi %rem3A_1184, %select_n3A_1183 : i32
    %select_n3A_1194 = arith.select %and3A_1192, %add3A_1193, %rem3A_1184 : i32
    %dma_start3A_1195 = arith.constant 2 : i32
    %dma_start3A_1196 = arith.constant 0 : i32
    %dma_start3A_1197 = arith.constant 0 : i32
    %dma_start3A_1198 = tpu.memref_slice %arg4[%dma_start3A_1195, %dma_start3A_1196, %dma_start3A_1197] : memref<4x2x16000xf32, #tpu.memory_space<vmem>> -> memref<1x2x16000xf32, #tpu.memory_space<vmem>>
    %dma_start3A_1199 = tpu.memref_squeeze %dma_start3A_1198 : memref<1x2x16000xf32, #tpu.memory_space<vmem>> -> memref<2x16000xf32, #tpu.memory_space<vmem>>
    %dma_start3A_1200 = arith.constant 0 : i32
    %dma_start3A_1201 = arith.constant 32000 : i32
    %dma_start3A_1202 = tpu.memref_slice %arg3[%select_n3A_1178, %select_n3A_1194, %dma_start3A_1200, %dma_start3A_1201] : memref<16x4x2x64000xf32, #tpu.memory_space<hbm>> -> memref<1x1x2x16000xf32, #tpu.memory_space<hbm>>
    %dma_start3A_1203 = tpu.memref_squeeze %dma_start3A_1202 : memref<1x1x2x16000xf32, #tpu.memory_space<hbm>> -> memref<2x16000xf32, #tpu.memory_space<hbm>>
    %dma_start3A_1204 = arith.constant 0 : i32
    %dma_start3A_1205 = arith.constant 32000 : i32
    %dma_start3A_1206 = tpu.memref_slice %arg3[%select_n3A_1178, %select_n3A_1194, %dma_start3A_1204, %dma_start3A_1205] : memref<16x4x2x64000xf32, #tpu.memory_space<hbm>> -> memref<1x1x2x16000xf32, #tpu.memory_space<hbm>>
    %dma_start3A_1207 = tpu.memref_squeeze %dma_start3A_1206 : memref<1x1x2x16000xf32, #tpu.memory_space<hbm>> -> memref<2x16000xf32, #tpu.memory_space<hbm>>
    %dma_start3A_1208 = arith.constant 0 : i32
    %dma_start3A_1209 = arith.constant 0 : i32
    %dma_start3A_1210 = tpu.memref_slice %arg4[%dma_start3A_1195, %dma_start3A_1208, %dma_start3A_1209] : memref<4x2x16000xf32, #tpu.memory_space<vmem>> -> memref<1x2x16000xf32, #tpu.memory_space<vmem>>
    %dma_start3A_1211 = tpu.memref_squeeze %dma_start3A_1210 : memref<1x2x16000xf32, #tpu.memory_space<vmem>> -> memref<2x16000xf32, #tpu.memory_space<vmem>>
    tpu.enqueue_dma source(%dma_start3A_1211 : memref<2x16000xf32, #tpu.memory_space<vmem>>) target(%dma_start3A_1207 : memref<2x16000xf32, #tpu.memory_space<hbm>>) target_semaphore(%arg11 : memref<!tpu.dma_semaphore, #tpu.memory_space<semaphore_mem>>)
    %dma_wait3A_1212 = arith.constant 3 : i32
    %dma_wait3A_1213 = arith.constant 0 : i32
    %dma_wait3A_1214 = arith.constant 0 : i32
    %dma_wait3A_1215 = tpu.memref_slice %arg4[%dma_wait3A_1212, %dma_wait3A_1213, %dma_wait3A_1214] : memref<4x2x16000xf32, #tpu.memory_space<vmem>> -> memref<1x2x16000xf32, #tpu.memory_space<vmem>>
    %dma_wait3A_1216 = tpu.memref_squeeze %dma_wait3A_1215 : memref<1x2x16000xf32, #tpu.memory_space<vmem>> -> memref<2x16000xf32, #tpu.memory_space<vmem>>
    %dma_wait3A_1217 = arith.constant 0 : i32
    %dma_wait3A_1218 = arith.constant 48000 : i32
    %dma_wait3A_1219 = tpu.memref_slice %arg2[%select_n3A_1102, %select_n3A_1118, %dma_wait3A_1217, %dma_wait3A_1218] : memref<16x4x2x64000xf32, #tpu.memory_space<hbm>> -> memref<1x1x2x16000xf32, #tpu.memory_space<hbm>>
    %dma_wait3A_1220 = tpu.memref_squeeze %dma_wait3A_1219 : memref<1x1x2x16000xf32, #tpu.memory_space<hbm>> -> memref<2x16000xf32, #tpu.memory_space<hbm>>
    %dma_wait3A_1221 = arith.constant 0 : i32
    %dma_wait3A_1222 = arith.constant 0 : i32
    %dma_wait3A_1223 = tpu.memref_slice %arg4[%dma_wait3A_1212, %dma_wait3A_1221, %dma_wait3A_1222] : memref<4x2x16000xf32, #tpu.memory_space<vmem>> -> memref<1x2x16000xf32, #tpu.memory_space<vmem>>
    %dma_wait3A_1224 = tpu.memref_squeeze %dma_wait3A_1223 : memref<1x2x16000xf32, #tpu.memory_space<vmem>> -> memref<2x16000xf32, #tpu.memory_space<vmem>>
    %dma_wait3A_1225 = arith.constant 0 : i32
    %dma_wait3A_1226 = arith.constant 48000 : i32
    %dma_wait3A_1227 = tpu.memref_slice %arg2[%select_n3A_1102, %select_n3A_1118, %dma_wait3A_1225, %dma_wait3A_1226] : memref<16x4x2x64000xf32, #tpu.memory_space<hbm>> -> memref<1x1x2x16000xf32, #tpu.memory_space<hbm>>
    %dma_wait3A_1228 = tpu.memref_squeeze %dma_wait3A_1227 : memref<1x1x2x16000xf32, #tpu.memory_space<hbm>> -> memref<2x16000xf32, #tpu.memory_space<hbm>>
    tpu.wait_dma2 semaphore(%arg8 : memref<!tpu.dma_semaphore, #tpu.memory_space<semaphore_mem>>) src(%dma_wait3A_1228 : memref<2x16000xf32, #tpu.memory_space<hbm>>) dst(%dma_wait3A_1224 : memref<2x16000xf32, #tpu.memory_space<vmem>>)
    %add3A_1229 = arith.constant 1 : i32
    %add3A_1230 = arith.addi %mul3A_157, %add3A_1229 : i32
    %jit3A_1231 = arith.constant 4 : i32
    %div3A_1232 = arith.divsi %add3A_1230, %jit3A_1231 : i32
    %sign3A_1233 = arith.constant 0 : i32
    %sign3A_1234 = arith.cmpi sgt, %add3A_1230, %sign3A_1233 : i32
    %sign3A_1235 = arith.extui %sign3A_1234 : i1 to i32
    %sign3A_1236 = arith.constant 0 : i32
    %sign3A_1237 = arith.cmpi slt, %add3A_1230, %sign3A_1236 : i32
    %sign3A_1238 = arith.extui %sign3A_1237 : i1 to i32
    %sign3A_1239 = arith.subi %sign3A_1235, %sign3A_1238 : i32
    %sign3A_1240 = arith.constant 0 : i32
    %sign3A_1241 = arith.cmpi sgt, %jit3A_1231, %sign3A_1240 : i32
    %sign3A_1242 = arith.extui %sign3A_1241 : i1 to i32
    %sign3A_1243 = arith.constant 0 : i32
    %sign3A_1244 = arith.cmpi slt, %jit3A_1231, %sign3A_1243 : i32
    %sign3A_1245 = arith.extui %sign3A_1244 : i1 to i32
    %sign3A_1246 = arith.subi %sign3A_1242, %sign3A_1245 : i32
    %ne3A_1247 = arith.cmpi ne, %sign3A_1239, %sign3A_1246 : i32
    %rem3A_1248 = arith.remsi %add3A_1230, %jit3A_1231 : i32
    %ne3A_1249 = arith.constant 0 : i32
    %ne3A_1250 = arith.cmpi ne, %rem3A_1248, %ne3A_1249 : i32
    %and3A_1251 = arith.andi %ne3A_1247, %ne3A_1250 : i1
    %sub3A_1252 = arith.constant 1 : i32
    %sub3A_1253 = arith.subi %div3A_1232, %sub3A_1252 : i32
    %select_n3A_1254 = arith.select %and3A_1251, %sub3A_1253, %div3A_1232 : i32
    %jit3A_1255 = arith.constant 4 : i32
    %eq3A_1256 = arith.constant 0 : i32
    %eq3A_1257 = arith.cmpi eq, %jit3A_1255, %eq3A_1256 : i32
    %jit3A_1258 = arith.constant 1 : i32
    %select_n3A_1259 = arith.select %eq3A_1257, %jit3A_1258, %jit3A_1255 : i32
    %rem3A_1260 = arith.remsi %add3A_1230, %select_n3A_1259 : i32
    %ne3A_1261 = arith.constant 0 : i32
    %ne3A_1262 = arith.cmpi ne, %rem3A_1260, %ne3A_1261 : i32
    %lt3A_1263 = arith.constant 0 : i32
    %lt3A_1264 = arith.cmpi slt, %rem3A_1260, %lt3A_1263 : i32
    %lt3A_1265 = arith.constant 0 : i32
    %lt3A_1266 = arith.cmpi slt, %select_n3A_1259, %lt3A_1265 : i32
    %ne3A_1267 = arith.xori %lt3A_1264, %lt3A_1266 : i1
    %and3A_1268 = arith.andi %ne3A_1267, %ne3A_1262 : i1
    %add3A_1269 = arith.addi %rem3A_1260, %select_n3A_1259 : i32
    %select_n3A_1270 = arith.select %and3A_1268, %add3A_1269, %rem3A_1260 : i32
    %dma_start3A_1271 = arith.constant 3 : i32
    %dma_start3A_1272 = arith.constant 0 : i32
    %dma_start3A_1273 = arith.constant 0 : i32
    %dma_start3A_1274 = tpu.memref_slice %arg4[%dma_start3A_1271, %dma_start3A_1272, %dma_start3A_1273] : memref<4x2x16000xf32, #tpu.memory_space<vmem>> -> memref<1x2x16000xf32, #tpu.memory_space<vmem>>
    %dma_start3A_1275 = tpu.memref_squeeze %dma_start3A_1274 : memref<1x2x16000xf32, #tpu.memory_space<vmem>> -> memref<2x16000xf32, #tpu.memory_space<vmem>>
    %dma_start3A_1276 = arith.constant 0 : i32
    %dma_start3A_1277 = arith.constant 48000 : i32
    %dma_start3A_1278 = tpu.memref_slice %arg3[%select_n3A_1254, %select_n3A_1270, %dma_start3A_1276, %dma_start3A_1277] : memref<16x4x2x64000xf32, #tpu.memory_space<hbm>> -> memref<1x1x2x16000xf32, #tpu.memory_space<hbm>>
    %dma_start3A_1279 = tpu.memref_squeeze %dma_start3A_1278 : memref<1x1x2x16000xf32, #tpu.memory_space<hbm>> -> memref<2x16000xf32, #tpu.memory_space<hbm>>
    %dma_start3A_1280 = arith.constant 0 : i32
    %dma_start3A_1281 = arith.constant 48000 : i32
    %dma_start3A_1282 = tpu.memref_slice %arg3[%select_n3A_1254, %select_n3A_1270, %dma_start3A_1280, %dma_start3A_1281] : memref<16x4x2x64000xf32, #tpu.memory_space<hbm>> -> memref<1x1x2x16000xf32, #tpu.memory_space<hbm>>
    %dma_start3A_1283 = tpu.memref_squeeze %dma_start3A_1282 : memref<1x1x2x16000xf32, #tpu.memory_space<hbm>> -> memref<2x16000xf32, #tpu.memory_space<hbm>>
    %dma_start3A_1284 = arith.constant 0 : i32
    %dma_start3A_1285 = arith.constant 0 : i32
    %dma_start3A_1286 = tpu.memref_slice %arg4[%dma_start3A_1271, %dma_start3A_1284, %dma_start3A_1285] : memref<4x2x16000xf32, #tpu.memory_space<vmem>> -> memref<1x2x16000xf32, #tpu.memory_space<vmem>>
    %dma_start3A_1287 = tpu.memref_squeeze %dma_start3A_1286 : memref<1x2x16000xf32, #tpu.memory_space<vmem>> -> memref<2x16000xf32, #tpu.memory_space<vmem>>
    tpu.enqueue_dma source(%dma_start3A_1287 : memref<2x16000xf32, #tpu.memory_space<vmem>>) target(%dma_start3A_1283 : memref<2x16000xf32, #tpu.memory_space<hbm>>) target_semaphore(%arg12 : memref<!tpu.dma_semaphore, #tpu.memory_space<semaphore_mem>>)
    %dma_wait3A_1288 = arith.constant 0 : i32
    %dma_wait3A_1289 = arith.constant 0 : i32
    %dma_wait3A_1290 = arith.constant 0 : i32
    %dma_wait3A_1291 = tpu.memref_slice %arg4[%dma_wait3A_1288, %dma_wait3A_1289, %dma_wait3A_1290] : memref<4x2x16000xf32, #tpu.memory_space<vmem>> -> memref<1x2x16000xf32, #tpu.memory_space<vmem>>
    %dma_wait3A_1292 = tpu.memref_squeeze %dma_wait3A_1291 : memref<1x2x16000xf32, #tpu.memory_space<vmem>> -> memref<2x16000xf32, #tpu.memory_space<vmem>>
    %dma_wait3A_1293 = arith.constant 0 : i32
    %dma_wait3A_1294 = arith.constant 0 : i32
    %dma_wait3A_1295 = tpu.memref_slice %arg3[%select_n3A_878, %select_n3A_894, %dma_wait3A_1293, %dma_wait3A_1294] : memref<16x4x2x64000xf32, #tpu.memory_space<hbm>> -> memref<1x1x2x16000xf32, #tpu.memory_space<hbm>>
    %dma_wait3A_1296 = tpu.memref_squeeze %dma_wait3A_1295 : memref<1x1x2x16000xf32, #tpu.memory_space<hbm>> -> memref<2x16000xf32, #tpu.memory_space<hbm>>
    %dma_wait3A_1297 = arith.constant 0 : i32
    %dma_wait3A_1298 = arith.constant 0 : i32
    %dma_wait3A_1299 = tpu.memref_slice %arg3[%select_n3A_878, %select_n3A_894, %dma_wait3A_1297, %dma_wait3A_1298] : memref<16x4x2x64000xf32, #tpu.memory_space<hbm>> -> memref<1x1x2x16000xf32, #tpu.memory_space<hbm>>
    %dma_wait3A_1300 = tpu.memref_squeeze %dma_wait3A_1299 : memref<1x1x2x16000xf32, #tpu.memory_space<hbm>> -> memref<2x16000xf32, #tpu.memory_space<hbm>>
    %dma_wait3A_1301 = arith.constant 0 : i32
    %dma_wait3A_1302 = arith.constant 0 : i32
    %dma_wait3A_1303 = tpu.memref_slice %arg4[%dma_wait3A_1288, %dma_wait3A_1301, %dma_wait3A_1302] : memref<4x2x16000xf32, #tpu.memory_space<vmem>> -> memref<1x2x16000xf32, #tpu.memory_space<vmem>>
    %dma_wait3A_1304 = tpu.memref_squeeze %dma_wait3A_1303 : memref<1x2x16000xf32, #tpu.memory_space<vmem>> -> memref<2x16000xf32, #tpu.memory_space<vmem>>
    tpu.wait_dma2 semaphore(%arg9 : memref<!tpu.dma_semaphore, #tpu.memory_space<semaphore_mem>>) src(%dma_wait3A_1304 : memref<2x16000xf32, #tpu.memory_space<vmem>>) dst(%dma_wait3A_1300 : memref<2x16000xf32, #tpu.memory_space<hbm>>)
    %dma_wait3A_1305 = arith.constant 1 : i32
    %dma_wait3A_1306 = arith.constant 0 : i32
    %dma_wait3A_1307 = arith.constant 0 : i32
    %dma_wait3A_1308 = tpu.memref_slice %arg4[%dma_wait3A_1305, %dma_wait3A_1306, %dma_wait3A_1307] : memref<4x2x16000xf32, #tpu.memory_space<vmem>> -> memref<1x2x16000xf32, #tpu.memory_space<vmem>>
    %dma_wait3A_1309 = tpu.memref_squeeze %dma_wait3A_1308 : memref<1x2x16000xf32, #tpu.memory_space<vmem>> -> memref<2x16000xf32, #tpu.memory_space<vmem>>
    %dma_wait3A_1310 = arith.constant 0 : i32
    %dma_wait3A_1311 = arith.constant 16000 : i32
    %dma_wait3A_1312 = tpu.memref_slice %arg3[%select_n3A_1028, %select_n3A_1044, %dma_wait3A_1310, %dma_wait3A_1311] : memref<16x4x2x64000xf32, #tpu.memory_space<hbm>> -> memref<1x1x2x16000xf32, #tpu.memory_space<hbm>>
    %dma_wait3A_1313 = tpu.memref_squeeze %dma_wait3A_1312 : memref<1x1x2x16000xf32, #tpu.memory_space<hbm>> -> memref<2x16000xf32, #tpu.memory_space<hbm>>
    %dma_wait3A_1314 = arith.constant 0 : i32
    %dma_wait3A_1315 = arith.constant 16000 : i32
    %dma_wait3A_1316 = tpu.memref_slice %arg3[%select_n3A_1028, %select_n3A_1044, %dma_wait3A_1314, %dma_wait3A_1315] : memref<16x4x2x64000xf32, #tpu.memory_space<hbm>> -> memref<1x1x2x16000xf32, #tpu.memory_space<hbm>>
    %dma_wait3A_1317 = tpu.memref_squeeze %dma_wait3A_1316 : memref<1x1x2x16000xf32, #tpu.memory_space<hbm>> -> memref<2x16000xf32, #tpu.memory_space<hbm>>
    %dma_wait3A_1318 = arith.constant 0 : i32
    %dma_wait3A_1319 = arith.constant 0 : i32
    %dma_wait3A_1320 = tpu.memref_slice %arg4[%dma_wait3A_1305, %dma_wait3A_1318, %dma_wait3A_1319] : memref<4x2x16000xf32, #tpu.memory_space<vmem>> -> memref<1x2x16000xf32, #tpu.memory_space<vmem>>
    %dma_wait3A_1321 = tpu.memref_squeeze %dma_wait3A_1320 : memref<1x2x16000xf32, #tpu.memory_space<vmem>> -> memref<2x16000xf32, #tpu.memory_space<vmem>>
    tpu.wait_dma2 semaphore(%arg10 : memref<!tpu.dma_semaphore, #tpu.memory_space<semaphore_mem>>) src(%dma_wait3A_1321 : memref<2x16000xf32, #tpu.memory_space<vmem>>) dst(%dma_wait3A_1317 : memref<2x16000xf32, #tpu.memory_space<hbm>>)
    %dma_wait3A_1322 = arith.constant 2 : i32
    %dma_wait3A_1323 = arith.constant 0 : i32
    %dma_wait3A_1324 = arith.constant 0 : i32
    %dma_wait3A_1325 = tpu.memref_slice %arg4[%dma_wait3A_1322, %dma_wait3A_1323, %dma_wait3A_1324] : memref<4x2x16000xf32, #tpu.memory_space<vmem>> -> memref<1x2x16000xf32, #tpu.memory_space<vmem>>
    %dma_wait3A_1326 = tpu.memref_squeeze %dma_wait3A_1325 : memref<1x2x16000xf32, #tpu.memory_space<vmem>> -> memref<2x16000xf32, #tpu.memory_space<vmem>>
    %dma_wait3A_1327 = arith.constant 0 : i32
    %dma_wait3A_1328 = arith.constant 32000 : i32
    %dma_wait3A_1329 = tpu.memref_slice %arg3[%select_n3A_1178, %select_n3A_1194, %dma_wait3A_1327, %dma_wait3A_1328] : memref<16x4x2x64000xf32, #tpu.memory_space<hbm>> -> memref<1x1x2x16000xf32, #tpu.memory_space<hbm>>
    %dma_wait3A_1330 = tpu.memref_squeeze %dma_wait3A_1329 : memref<1x1x2x16000xf32, #tpu.memory_space<hbm>> -> memref<2x16000xf32, #tpu.memory_space<hbm>>
    %dma_wait3A_1331 = arith.constant 0 : i32
    %dma_wait3A_1332 = arith.constant 32000 : i32
    %dma_wait3A_1333 = tpu.memref_slice %arg3[%select_n3A_1178, %select_n3A_1194, %dma_wait3A_1331, %dma_wait3A_1332] : memref<16x4x2x64000xf32, #tpu.memory_space<hbm>> -> memref<1x1x2x16000xf32, #tpu.memory_space<hbm>>
    %dma_wait3A_1334 = tpu.memref_squeeze %dma_wait3A_1333 : memref<1x1x2x16000xf32, #tpu.memory_space<hbm>> -> memref<2x16000xf32, #tpu.memory_space<hbm>>
    %dma_wait3A_1335 = arith.constant 0 : i32
    %dma_wait3A_1336 = arith.constant 0 : i32
    %dma_wait3A_1337 = tpu.memref_slice %arg4[%dma_wait3A_1322, %dma_wait3A_1335, %dma_wait3A_1336] : memref<4x2x16000xf32, #tpu.memory_space<vmem>> -> memref<1x2x16000xf32, #tpu.memory_space<vmem>>
    %dma_wait3A_1338 = tpu.memref_squeeze %dma_wait3A_1337 : memref<1x2x16000xf32, #tpu.memory_space<vmem>> -> memref<2x16000xf32, #tpu.memory_space<vmem>>
    tpu.wait_dma2 semaphore(%arg11 : memref<!tpu.dma_semaphore, #tpu.memory_space<semaphore_mem>>) src(%dma_wait3A_1338 : memref<2x16000xf32, #tpu.memory_space<vmem>>) dst(%dma_wait3A_1334 : memref<2x16000xf32, #tpu.memory_space<hbm>>)
    %dma_wait3A_1339 = arith.constant 3 : i32
    %dma_wait3A_1340 = arith.constant 0 : i32
    %dma_wait3A_1341 = arith.constant 0 : i32
    %dma_wait3A_1342 = tpu.memref_slice %arg4[%dma_wait3A_1339, %dma_wait3A_1340, %dma_wait3A_1341] : memref<4x2x16000xf32, #tpu.memory_space<vmem>> -> memref<1x2x16000xf32, #tpu.memory_space<vmem>>
    %dma_wait3A_1343 = tpu.memref_squeeze %dma_wait3A_1342 : memref<1x2x16000xf32, #tpu.memory_space<vmem>> -> memref<2x16000xf32, #tpu.memory_space<vmem>>
    %dma_wait3A_1344 = arith.constant 0 : i32
    %dma_wait3A_1345 = arith.constant 48000 : i32
    %dma_wait3A_1346 = tpu.memref_slice %arg3[%select_n3A_1254, %select_n3A_1270, %dma_wait3A_1344, %dma_wait3A_1345] : memref<16x4x2x64000xf32, #tpu.memory_space<hbm>> -> memref<1x1x2x16000xf32, #tpu.memory_space<hbm>>
    %dma_wait3A_1347 = tpu.memref_squeeze %dma_wait3A_1346 : memref<1x1x2x16000xf32, #tpu.memory_space<hbm>> -> memref<2x16000xf32, #tpu.memory_space<hbm>>
    %dma_wait3A_1348 = arith.constant 0 : i32
    %dma_wait3A_1349 = arith.constant 48000 : i32
    %dma_wait3A_1350 = tpu.memref_slice %arg3[%select_n3A_1254, %select_n3A_1270, %dma_wait3A_1348, %dma_wait3A_1349] : memref<16x4x2x64000xf32, #tpu.memory_space<hbm>> -> memref<1x1x2x16000xf32, #tpu.memory_space<hbm>>
    %dma_wait3A_1351 = tpu.memref_squeeze %dma_wait3A_1350 : memref<1x1x2x16000xf32, #tpu.memory_space<hbm>> -> memref<2x16000xf32, #tpu.memory_space<hbm>>
    %dma_wait3A_1352 = arith.constant 0 : i32
    %dma_wait3A_1353 = arith.constant 0 : i32
    %dma_wait3A_1354 = tpu.memref_slice %arg4[%dma_wait3A_1339, %dma_wait3A_1352, %dma_wait3A_1353] : memref<4x2x16000xf32, #tpu.memory_space<vmem>> -> memref<1x2x16000xf32, #tpu.memory_space<vmem>>
    %dma_wait3A_1355 = tpu.memref_squeeze %dma_wait3A_1354 : memref<1x2x16000xf32, #tpu.memory_space<vmem>> -> memref<2x16000xf32, #tpu.memory_space<vmem>>
    tpu.wait_dma2 semaphore(%arg12 : memref<!tpu.dma_semaphore, #tpu.memory_space<semaphore_mem>>) src(%dma_wait3A_1355 : memref<2x16000xf32, #tpu.memory_space<vmem>>) dst(%dma_wait3A_1351 : memref<2x16000xf32, #tpu.memory_space<hbm>>)
    return
  }
}

</mosaic_0001>

<sc_bundles>
// kernel: kernel.3.cloned.1.call-start
scs
__scs_entry_jumppad:
0x0: {  	(pc) =	sbr.rel $0x88, $3  }
0x1: {  	(tag) =	ssettag $0x0;
	lr =	simm.s32 $0x1  }
0x2: {  	[smem:$0x3FA0] =	sst lr;
	_ =	strace $0xD0000000  }
0x3: {  	_ = 	snop  }
0x4: {  	_ = 	snop  }
0x5: {  	_ = 	snop  }
0x6: {  	_ = 	snop  }
0x7: {  	_ = 	snop  }
__scs_overlays_trampoline_lowered:
0x8: {  	[smem:$0x3FAF] =	sst s0  }
0x9: {  	[smem:$0x3FB0] =	sst s1  }
0xa: {  	[smem:$0x3FB1] =	sst s2  }
0xb: {  	[smem:$0x3FB2] =	sst s3  }
0xc: {  	[smem:$0x3FB3] =	sst s4  }
0xd: {  	[smem:$0x3FB4] =	sst s5  }
0xe: {  	[smem:$0x3FB5] =	sst s6  }
0xf: {  	[smem:$0x3FB6] =	sst s7  }
0x10: {  	[smem:$0x3FB7] =	sst s8  }
0x11: {  	[smem:$0x3FB8] =	sst s9;
	s0 =	simm.s32 @!p0 $0x0  }
0x12: {  	s1 =	sld [smem:$0x3F9E];
	s0 =	simm.s32 @p0 $0x1  }
0x13: {  	[smem:$0x3FB9] =	sst s0;
	s0 =	simm.s32 @!p1 $0x0  }
0x14: {  	s2 =	sld [smem:$0x3F9D];
	s0 =	simm.s32 @p1 $0x1  }
0x15: {  	[smem:$0x3FBA] =	sst s0;
	s0 =	simm.s32 @!p2 $0x0  }
0x16: {  	s3 =	sld [smem:$0x3FDB];
	s0 =	simm.s32 @p2 $0x1  }
0x17: {  	s4 =	simm.s32 $0x1BF5;
	[smem:$0x3FBC] =	sst s0  }
0x18: {  	s0 =	sld [smem:$0x3F9F];
	_ =	swait.ge [sflag:s4], $0x0  }
0x19: {  	s7 =	sld [smem:$0x3FA0]  }
0x1a: {  	s8 =	sadd.s32 $0xFFFFE003, lr  }
0x1b: {  	s9 =	sadd.s32 $0xFFFFFEF7, lr;
	s5 =	simm.s32 $0xFFFFFFFF;
	p2 =	slt.u32 s8, $0xFFFFF086  }
0x1c: {  	p1 =	slt.u32 s9, $0xF7A;
	s5 =	simm.s32 @!p2 $0x0  }
0x1d: {  	s5 =	simm.s32 @p1 $0x1;
	p0 =	seq.s32 s7, s2  }
0x1e: {  	s7 =	smul.u32 @!p0 $0xF7A, s2;
	p2 =	seq.s32 @!p0 s5, $0x0  }
0x1f: {  	s9 =	smul.u32 $0xF7A, s1;
	s8 =	simm.s32 @!p0 $0x1BF5;
	p2 =	por !p2, p0  }
0x20: {  	[sflag:s8] =	ssyncset.s32 @!p0 $0xFFFFF086;
	s6 =	sadd.s32 @!p0 s3, s7;
	s7 =	simm.s32 @!p0 $0x108  }
0x21: {  	s3 =	sadd.s32 s3, s9;
	s6 =	sadd.s32 @!p0 $0x88, s6;
	s7 =	simm.s32 @p2 $0x1082  }
0x22: {  	[simem:s7], [sflag:s8] =	dma.local @!p0 [hbm:s6], $0xF7A  }
0x23: {  	s9 =	sor.u32 $0xD0000000, s2;
	s6 =	simm.s32 $0x108;
	_ =	swait.ge @!p0 [sflag:s8], $0x0  }
0x24: {  	s3 =	sadd.s32 $0x88, s3;
	s6 =	simm.s32 @!p1 $0x1082;
	[sflag:s4] =	ssyncset.s32 $0xFFFFF086  }
0x25: {  	[simem:s6], [sflag:s4] =	dma.local [hbm:s3], $0xF7A  }
0x26: {  	[smem:$0x3FA0] =	sst s1;
	(tag) =	ssettag s2;
	_ =	strace s9  }
0x27: {  	s1 =	sld [smem:$0x3FB0]  }
0x28: {  	s2 =	sld [smem:$0x3FB1]  }
0x29: {  	s4 =	sld [smem:$0x3FB3]  }
0x2a: {  	p0 =	seq.s32 s5, $0x0;
	s5 =	sld [smem:$0x3FB4]  }
0x2b: {  	s6 =	sld [smem:$0x3FB5]  }
0x2c: {  	s7 =	sld [smem:$0x3FB6]  }
0x2d: {  	s3 =	simm.s32 $0x108;
	s8 =	sld [smem:$0x3FB7]  }
0x2e: {  	s3 =	simm.s32 @!p0 $0x1082;
	s9 =	sld [smem:$0x3FB8]  }
0x2f: {  	lr =	sadd.s32 s0, s3;
	s0 =	sld [smem:$0x3FAF]  }
0x30: {  	s3 =	sld [smem:$0x3FB2]  }
0x31: {  	[smem:$0x3FBB] =	sst s10  }
0x32: {  	s10 =	sld [smem:$0x3FB9];
	_ =	sdelay $0x3  }
0x33: {  	p0 =	seq.s32 s10, $0x1;
	s10 =	sld [smem:$0x3FBB];
	_ =	sdelay $0x3  }
0x34: {  	[smem:$0x3FBB] =	sst s10  }
0x35: {  	s10 =	sld [smem:$0x3FBA];
	_ =	sdelay $0x3  }
0x36: {  	p1 =	seq.s32 s10, $0x1;
	s10 =	sld [smem:$0x3FBB];
	_ =	sdelay $0x3  }
0x37: {  	[smem:$0x3FBB] =	sst s10  }
0x38: {  	s10 =	sld [smem:$0x3FBC]  }
0x39: {  	_ = 	snop;
	(pc) =	sbr.ind lr, $3  }
0x3a: {  	_ = 	snop  }
0x3b: {  	_ = 	snop  }
0x3c: {  	p2 =	seq.s32 s10, $0x1;
	s10 =	sld [smem:$0x3FBB]  }
0x3d: {  	_ =	shalt  }
0x3e: {  	_ =	shalt  }
0x3f: {  	_ =	shalt  }
0x40: {  	_ =	shalt  }
0x41: {  	_ =	shalt  }
0x42: {  	_ =	shalt  }
0x43: {  	_ =	shalt  }
0x44: {  	_ =	shalt  }
0x45: {  	_ =	shalt  }
0x46: {  	_ =	shalt  }
0x47: {  	_ =	shalt  }
0x48: {  	_ =	shalt  }
0x49: {  	_ =	shalt  }
0x4a: {  	_ =	shalt  }
0x4b: {  	_ =	shalt  }
0x4c: {  	_ =	shalt  }
0x4d: {  	_ =	shalt  }
0x4e: {  	_ =	shalt  }
0x4f: {  	_ =	shalt  }
0x50: {  	_ =	shalt  }
0x51: {  	_ =	shalt  }
0x52: {  	_ =	shalt  }
0x53: {  	_ =	shalt  }
0x54: {  	_ =	shalt  }
0x55: {  	_ =	shalt  }
0x56: {  	_ =	shalt  }
0x57: {  	_ =	shalt  }
0x58: {  	_ =	shalt  }
0x59: {  	_ =	shalt  }
0x5a: {  	_ =	shalt  }
0x5b: {  	_ =	shalt  }
0x5c: {  	_ =	shalt  }
0x5d: {  	_ =	shalt  }
0x5e: {  	_ =	shalt  }
0x5f: {  	_ =	shalt  }
0x60: {  	_ =	shalt  }
0x61: {  	_ =	shalt  }
0x62: {  	_ =	shalt  }
0x63: {  	_ =	shalt  }
0x64: {  	_ =	shalt  }
0x65: {  	_ =	shalt  }
0x66: {  	_ =	shalt  }
0x67: {  	_ =	shalt  }
0x68: {  	_ =	shalt  }
0x69: {  	_ =	shalt  }
0x6a: {  	_ =	shalt  }
0x6b: {  	_ =	shalt  }
0x6c: {  	_ =	shalt  }
0x6d: {  	_ =	shalt  }
0x6e: {  	_ =	shalt  }
0x6f: {  	_ =	shalt  }
0x70: {  	_ =	shalt  }
0x71: {  	_ =	shalt  }
0x72: {  	_ =	shalt  }
0x73: {  	_ =	shalt  }
0x74: {  	_ =	shalt  }
0x75: {  	_ =	shalt  }
0x76: {  	_ =	shalt  }
0x77: {  	_ =	shalt  }
0x78: {  	_ =	shalt  }
0x79: {  	_ =	shalt  }
0x7a: {  	_ =	shalt  }
0x7b: {  	_ =	shalt  }
0x7c: {  	_ =	shalt  }
0x7d: {  	_ =	shalt  }
0x7e: {  	_ =	shalt  }
0x7f: {  	_ =	shalt  }
0x80: {  	_ =	shalt  }
0x81: {  	_ =	shalt  }
0x82: {  	_ =	shalt  }
0x83: {  	_ =	shalt  }
0x84: {  	_ =	shalt  }
0x85: {  	_ =	shalt  }
0x86: {  	_ =	shalt  }
0x87: {  	_ =	shalt  }
.Lfunc_end0:
.L_simem_size_0:
called_computation_lowered:
.L_overlay_start_0:
0x88: {  	s2 =	sld [smem:$0x3FD9]  }
0x89: {  	s3 =	sld [smem:$0x3FFE];
	_ =	sdelay $0x1  }
0x8a: {  	s1 =	srdreg.scid  }
0x8b: {  	s0 =	sand.u32 $0x1, s1  }
0x8c: {  	s18 =	sshll.u32 s0, $0xA;
	s2 =	sadd.s32 s3, s2  }
0x8d: {  	s2 =	sadd.s32 s2, s18  }
0x8e: {  	[smem:$0x3FC7] =	sst s2  }
0x8f: {  	_ = 	snop  }
0x90: {  	s2 =	sld [smem:$0x3FC9]  }
0x91: {  	s19 =	sld [smem:$0x3FD0];
	(tm) =	ssettm $0x1  }
0x92: {  	s4 =	sld [smem:$0x3FFB];
	_ =	sdelay $0x3  }
0x93: {  	_ =	strace s4  }
0x94: {  	s4 =	sld [smem:$0x3FFC];
	_ =	sdelay $0x3  }
0x95: {  	_ =	strace s4  }
0x96: {  	s4 =	sld [smem:$0x3FFD];
	_ =	sdelay $0x3  }
0x97: {  	_ =	strace s4  }
0x98: {  	_ =	strace $0x8FFFFFFF  }
0x99: {  	s20 =	sld [smem:$0x3FDB];
	_ =	sdelay $0x1  }
0x9a: {  	s5 =	simm.s32 $_scs_section_size  }
0x9b: {  	s6 =	simm.s32 $_size__tile_overlayer_lowered;
	s7 =	simm.s32 $_tile_overlayer_lowered  }
0x9c: {  	s23 =	simm.s32 $0x1BFF;
	s22 =	sshll.u32 s7, $0x1;
	s4 =	sadd.s32 s5, s20  }
0x9d: {  	s8 =	simm.s32 $0x0;
	s21 =	sshll.u32 s6, $0x1;
	s6 =	sadd.s32 s22, s4  }
0x9e: {  	[timem:s8], [sflag:s23] =	dma.local [hbm:s6], s21  }
0x9f: {  	_ =	swait.ge [sflag:s23], s21  }
0xa0: {  	s5 =	ssub.s32 $0x0, s21;
	[sflag:s23] =	ssyncset.done $0x0  }
0xa1: {  	[sflag:s23] =	ssyncadd.s32 s5;
	_ =	sdelay $0x1  }
0xa2: {  	s24 =	simm.s32 $0x1B8B  }
0xa3: {  	_ =	swait.ge [sflag:s24], $0x1  }
0xa4: {  	[sflag:s24] =	ssyncset.done $0x0  }
0xa5: {  	s25 =	simm.s32 $0x1B8E;
	[sflag:s24] =	ssyncadd.s32 $0xFFFFFFFF  }
0xa6: {  	s26 =	simm.s32 $execute0_lowered;
	[smem:$0x3FD2] =	sst s25  }
0xa7: {  	s5 =	sshll.u32 s26, $0x1;
	_ =	strace $0x80000046;
	[dreg:$0x1] =	wrdreg $0xFFFFFFFF  }
0xa8: {  	s28 =	simm.s32 $_size_execute0_lowered;
	s4 =	sadd.s32 s4, s5;
	[dreg:$0x0] =	wrdreg $0x0  }
0xa9: {  	s5 =	sshll.u32 s28, $0x1;
	[dreg:$0x2] =	wrdreg s4  }
0xaa: {  	[dreg:$0x3] =	wrdreg s5  }
0xab: {  	[dreg:$0x4] =	wrdreg $0xC0  }
0xac: {  	_ =	task [dreg:s8], $0x5FFFF  }
0xad: {  	[dreg:$0x1] =	wrdreg $0xFFFFFFFF  }
0xae: {  	[dreg:$0x0] =	wrdreg $0x60  }
0xaf: {  	[dreg:$0x2] =	wrdreg s2  }
0xb0: {  	[dreg:$0x3] =	wrdreg s19  }
0xb1: {  	[dreg:$0x4] =	wrdreg $0x9  }
0xb2: {  	_ =	task.clear_ibuf [dreg:s8], $0x5FFFF;
	_ =	strace $0x90000046  }
0xb3: {  	s29 =	simm.s32 $0x9;
	_ =	strace $0x80000048  }
0xb4: {  	_ =	swait.ge [sflag:s29], $0x1  }
0xb5: {  	[sflag:s29] =	ssyncadd.s32 $0xFFFFFFFF  }
0xb6: {  	_ =	strace $0x90000048  }
0xb7: {  	_ =	sfence  }
0xb8: {  	s30 =	sld [smem:$0x0];
	_ =	sdelay $0x2  }
0xb9: {  	s31 =	sshll.u32 s1, $0xD;
	s1 =	sshrl.u32 s1, $0x2  }
0xba: {  	s3 =	sand.u32 $0x4000, s31;
	s1 =	sadd.s32 s1, s30  }
0xbb: {  	s0 =	sor.u32 s3, s0;
	s1 =	sshll.u32 s1, $0x11  }
0xbc: {  	s0 =	sor.u32 s1, s0  }
0xbd: {  	s0 =	sadd.s32 $0x8F2B, s0  }
0xbe: {  	[sflag:s0] =	ssyncadd.remote.s32 $0x1  }
0xbf: {  	_ =	sfence.sel $0xFFFF  }
0xc0: {  	[dreg:$0x0] =	wrdreg $0xFFFFFFFF;
	(pc) =	sbr.abs _section_cstart, $3  }
0xc1: {  	[dreg:$0x1] =	wrdreg $0xFFFFFFFF  }
0xc2: {  	_ =	task.clear_ibuf [dreg:s8], $0x2FFFF;
	_ =	strace $0x9FFFFFFF  }
0xc3: {  	(tm) =	ssettm $0x7FFFFFFF  }
tec
execute0_lowered:
.L_overlay_start_1:
0x0: {  	(tag) =	ssettag $0x1  }
0x1: {  	s1 =	srdreg.scid;
	s0 =	stileid.u32  }
0x2: {  	s25 =	sand.u32 $0x1, s1;
	s24 =	sshll.u32 s0, $0x1  }
0x3: {  	s1 =	sor.u32 s25, s24  }
0x4: {  	s16 =	simm.s32 $0xFD6;
	p0 =	seq.s32 s1, $0x1  }
0x5: {  	s16 =	simm.s32 @!p0 $0x244;
	p0 =	seq.s32 s1, $0x2  }
0x6: {  	s16 =	simm.s32 @p0 $0xF4C;
	p0 =	seq.s32 s1, $0x3  }
0x7: {  	s16 =	simm.s32 @p0 $0x4DE;
	p0 =	seq.s32 s1, $0x4  }
0x8: {  	s16 =	simm.s32 @p0 $0xA64;
	p0 =	seq.s32 s1, $0x5  }
0x9: {  	s16 =	simm.s32 @p0 $0x5EA;
	p0 =	seq.s32 s1, $0x6  }
0xa: {  	s16 =	simm.s32 @p0 $0x6C;
	p0 =	seq.s32 s1, $0x7  }
0xb: {  	s16 =	simm.s32 @p0 $0x3C2;
	p0 =	seq.s32 s1, $0x8  }
0xc: {  	s16 =	simm.s32 @p0 $0x454;
	p0 =	seq.s32 s1, $0x9  }
0xd: {  	s16 =	simm.s32 @p0 $0x2C6;
	p0 =	seq.s32 s1, $0xA  }
0xe: {  	s16 =	simm.s32 @p0 $0xB7C;
	p0 =	seq.s32 s1, $0xB  }
0xf: {  	s16 =	simm.s32 @p0 $0xAD2;
	p0 =	seq.s32 s1, $0xC  }
0x10: {  	s16 =	simm.s32 @p0 $0xC40;
	p0 =	seq.s32 s1, $0xD  }
0x11: {  	s16 =	simm.s32 @p0 $0xBCA;
	p0 =	seq.s32 s1, $0xE  }
0x12: {  	s16 =	simm.s32 @p0 $0x578;
	p0 =	seq.s32 s1, $0xF  }
0x13: {  	s16 =	simm.s32 @p0 $0xCF6;
	p0 =	seq.s32 s1, $0x10  }
0x14: {  	s16 =	simm.s32 @p0 $0x748;
	p0 =	seq.s32 s1, $0x11  }
0x15: {  	s16 =	simm.s32 @p0 $0x7F2;
	p0 =	seq.s32 s1, $0x12  }
0x16: {  	s16 =	simm.s32 @p0 $0x970;
	p0 =	seq.s32 s1, $0x13  }
0x17: {  	s16 =	simm.s32 @p0 $0x6DA;
	p0 =	seq.s32 s1, $0x14  }
0x18: {  	s16 =	simm.s32 @p0 $0xD58;
	p0 =	seq.s32 s1, $0x15  }
0x19: {  	s16 =	simm.s32 @p0 $0xCE;
	p0 =	seq.s32 s1, $0x16  }
0x1a: {  	s16 =	simm.s32 @p0 $0x65C;
	p0 =	seq.s32 s1, $0x17  }
0x1b: {  	s16 =	simm.s32 @p0 $0xEE2;
	p0 =	seq.s32 s1, $0x18  }
0x1c: {  	s16 =	simm.s32 @p0 $0x374;
	p0 =	seq.s32 s1, $0x19  }
0x1d: {  	s16 =	simm.s32 @p0 $0xDEE;
	p0 =	seq.s32 s1, $0x1A  }
0x1e: {  	s16 =	simm.s32 @p0 $0xE68;
	p0 =	seq.s32 s1, $0x1B  }
0x1f: {  	s16 =	simm.s32 @p0 $0x1FA;
	p0 =	seq.s32 s1, $0x1C  }
0x20: {  	s16 =	simm.s32 @p0 $0x150;
	p0 =	seq.s32 s1, $0x1D  }
0x21: {  	s16 =	simm.s32 @p0 $0x9FE;
	p0 =	seq.s32 s1, $0x1E  }
0x22: {  	s16 =	simm.s32 @p0 $0x860;
	p0 =	seq.s32 s1, $0x1F  }
0x23: {  	s16 =	simm.s32 @p0 $0x8E6  }
0x24: {  	s26 =	sshrl.u32 s16, $0x2;
	s2 =	sand.u32 $0x3, s16  }
0x25: {  	s1 =	sand.u32 $0xF, s26;
	s2 =	smul.u32 $0x1F400, s2  }
0x26: {  	s1 =	smul.u32 $0x7D000, s1  }
0x27: {  	s17 =	rddreg [dreg:$0x0]  }
0x28: {  	s7 =	rddreg [dreg:$0x1];
	s3 =	sadd.s32 s2, s1;
	s2 =	simm.s32 $0x0  }
0x29: {  	s5 =	simm.s32 $0x7D00;
	s3 =	sshrl.u32 s3, $0x3;
	[smem:$0x7FF] =	sst s2  }
0x2a: {  	s8 =	smul.u32 $0x7D000, s0;
	s3 =	sadd.s32 s17, s3;
	_ =	strace $0x80000047  }
0x2b: {  	[tilespmem:s2], [sflag:$0x1] =	stream.linear.gather [hbm4b:s3+s2], $0x7D00, $0x38;
	[tilespmem:$0x1F400] =	vst v63  }
0x2c: {  	s6 =	simm.s32 $0x1;
	s9 =	smul.u32 $0x3E800, s25;
	s4 =	sadd.s32 $0xFA0, s3  }
0x2d: {  	[tilespmem:s5], [sflag:$0x2] =	stream.linear.gather [hbm4b:s4+s2], $0x7D00, $0x38;
	[tilespmem:$0x1F400] =	vst v63  }
0x2e: {  	s8 =	sadd.s32 s9, s8;
	_ =	swait.ge [sflag:s6], $0x7D00  }
0x2f: {  	s8 =	sshrl.u32 s8, $0x3;
	[sflag:s6] =	ssyncset.done $0x0  }
0x30: {  	s7 =	sadd.s32 s7, s8;
	[sflag:s6] =	ssyncadd.s32 $0xFFFF8300  }
0x31: {  	[hbm4b:s7+s2] =	stream.linear.scatter [tilespmem:s2], [sflag:$0x5], $0x7D00, $0x38;
	[tilespmem:$0x1F400] =	vst v63  }
0x32: {  	s10 =	simm.s32 $0x2;
	s9 =	simm.s32 $0xFA00;
	s8 =	sadd.s32 $0x1F40, s3  }
0x33: {  	[tilespmem:s9], [sflag:$0x3] =	stream.linear.gather [hbm4b:s8+s2], $0x7D00, $0x38;
	[tilespmem:$0x1F400] =	vst v63  }
0x34: {  	_ =	swait.ge [sflag:s10], $0x7D00  }
0x35: {  	[sflag:s10] =	ssyncset.done $0x0  }
0x36: {  	s13 =	simm.s32 $0x17700;
	s11 =	sadd.s32 $0xFA0, s7;
	[sflag:s10] =	ssyncadd.s32 $0xFFFF8300  }
0x37: {  	[hbm4b:s11+s2] =	stream.linear.scatter [tilespmem:s5], [sflag:$0x6], $0x7D00, $0x38;
	[tilespmem:$0x1F400] =	vst v63  }
0x38: {  	s14 =	simm.s32 $0x3;
	s15 =	sadd.s32 $0x1F40, s7;
	s12 =	sadd.s32 $0x2EE0, s3  }
0x39: {  	[tilespmem:s13], [sflag:$0x4] =	stream.linear.gather [hbm4b:s12+s2], $0x7D00, $0x38;
	[tilespmem:$0x1F400] =	vst v63  }
0x3a: {  	s18 =	sshrl.u32 s16, $0x6;
	s16 =	sshrl.u32 s16, $0x8;
	_ =	swait.ge [sflag:s14], $0x7D00  }
0x3b: {  	s18 =	sand.u32 $0x3, s18;
	s19 =	smul.u32 $0x7D000, s16;
	[sflag:s14] =	ssyncset.done $0x0  }
0x3c: {  	s16 =	simm.s32 $0x5;
	s18 =	smul.u32 $0x1F400, s18;
	[sflag:s14] =	ssyncadd.s32 $0xFFFF8300  }
0x3d: {  	[hbm4b:s15+s2] =	stream.linear.scatter [tilespmem:s9], [sflag:$0x7], $0x7D00, $0x38;
	[tilespmem:$0x1F400] =	vst v63  }
0x3e: {  	s18 =	sadd.s32 s19, s18;
	_ =	swait.ge [sflag:s16], $0x7D00  }
0x3f: {  	s18 =	sshrl.u32 s18, $0x3;
	[sflag:s16] =	ssyncset.done $0x0  }
0x40: {  	s17 =	sadd.s32 s17, s18;
	s18 =	simm.s32 $0x4;
	[sflag:s16] =	ssyncadd.s32 $0xFFFF8300  }
0x41: {  	[tilespmem:s2], [sflag:$0x1] =	stream.linear.gather [hbm4b:s17+s2], $0x7D00, $0x38;
	[tilespmem:$0x1F400] =	vst v63  }
0x42: {  	_ =	swait.ge [sflag:s18], $0x7D00  }
0x43: {  	[sflag:s18] =	ssyncset.done $0x0  }
0x44: {  	s20 =	simm.s32 $0x6;
	s19 =	sadd.s32 $0x2EE0, s7;
	[sflag:s18] =	ssyncadd.s32 $0xFFFF8300  }
0x45: {  	[hbm4b:s19+s2] =	stream.linear.scatter [tilespmem:s13], [sflag:$0x8], $0x7D00, $0x38;
	[tilespmem:$0x1F400] =	vst v63  }
0x46: {  	_ =	swait.ge [sflag:s20], $0x7D00  }
0x47: {  	[sflag:s20] =	ssyncset.done $0x0  }
0x48: {  	s21 =	sadd.s32 $0xFA0, s17;
	[sflag:s20] =	ssyncadd.s32 $0xFFFF8300  }
0x49: {  	[tilespmem:s5], [sflag:$0x2] =	stream.linear.gather [hbm4b:s21+s2], $0x7D00, $0x38;
	[tilespmem:$0x1F400] =	vst v63  }
0x4a: {  	_ =	swait.ge [sflag:s6], $0x7D00  }
0x4b: {  	[sflag:s6] =	ssyncset.done $0x0  }
0x4c: {  	s23 =	simm.s32 $0x7;
	s22 =	sadd.s32 $0x3E80, s7;
	[sflag:s6] =	ssyncadd.s32 $0xFFFF8300  }
0x4d: {  	[hbm4b:s22+s2] =	stream.linear.scatter [tilespmem:s2], [sflag:$0x5], $0x7D00, $0x38;
	[tilespmem:$0x1F400] =	vst v63  }
0x4e: {  	_ =	swait.ge [sflag:s23], $0x7D00  }
0x4f: {  	[sflag:s23] =	ssyncset.done $0x0  }
0x50: {  	s24 =	sadd.s32 $0x1F40, s17;
	[sflag:s23] =	ssyncadd.s32 $0xFFFF8300  }
0x51: {  	[tilespmem:s9], [sflag:$0x3] =	stream.linear.gather [hbm4b:s24+s2], $0x7D00, $0x38;
	[tilespmem:$0x1F400] =	vst v63  }
0x52: {  	_ =	swait.ge [sflag:s10], $0x7D00  }
0x53: {  	[sflag:s10] =	ssyncset.done $0x0  }
0x54: {  	s28 =	simm.s32 $0x8;
	s26 =	sadd.s32 $0x4E20, s7;
	[sflag:s10] =	ssyncadd.s32 $0xFFFF8300  }
0x55: {  	[hbm4b:s26+s2] =	stream.linear.scatter [tilespmem:s5], [sflag:$0x6], $0x7D00, $0x38;
	[tilespmem:$0x1F400] =	vst v63  }
0x56: {  	_ =	swait.ge [sflag:s28], $0x7D00  }
0x57: {  	[sflag:s28] =	ssyncset.done $0x0  }
0x58: {  	s29 =	sadd.s32 $0x2EE0, s17;
	[sflag:s28] =	ssyncadd.s32 $0xFFFF8300  }
0x59: {  	[tilespmem:s13], [sflag:$0x4] =	stream.linear.gather [hbm4b:s29+s2], $0x7D00, $0x38;
	[tilespmem:$0x1F400] =	vst v63  }
0x5a: {  	_ =	swait.ge [sflag:s14], $0x7D00  }
0x5b: {  	[sflag:s14] =	ssyncset.done $0x0  }
0x5c: {  	s30 =	sadd.s32 $0x5DC0, s7;
	[sflag:s14] =	ssyncadd.s32 $0xFFFF8300  }
0x5d: {  	[hbm4b:s30+s2] =	stream.linear.scatter [tilespmem:s9], [sflag:$0x7], $0x7D00, $0x38;
	[tilespmem:$0x1F400] =	vst v63  }
0x5e: {  	_ =	swait.ge [sflag:s18], $0x7D00  }
0x5f: {  	[sflag:s18] =	ssyncset.done $0x0  }
0x60: {  	s31 =	sadd.s32 $0x6D60, s7;
	[sflag:s18] =	ssyncadd.s32 $0xFFFF8300  }
0x61: {  	[hbm4b:s31+s2] =	stream.linear.scatter [tilespmem:s13], [sflag:$0x8], $0x7D00, $0x38;
	[tilespmem:$0x1F400] =	vst v63  }
0x62: {  	_ =	swait.ge [sflag:s16], $0x7D00  }
0x63: {  	s25 =	ssub.s32 $0x2, s25;
	[sflag:s16] =	ssyncset.done $0x0  }
0x64: {  	s1 =	sshrl.u32 s25, $0x1;
	[sflag:s16] =	ssyncadd.s32 $0xFFFF8300  }
0x65: {  	s1 =	ssub.s32 s25, s1;
	_ =	swait.ge [sflag:s20], $0x7D00  }
0x66: {  	s1 =	smax.u32 s1, $0x1;
	[sflag:s20] =	ssyncset.done $0x0  }
0x67: {  	p0 =	sne.s32 s1, $0x1;
	[sflag:s20] =	ssyncadd.s32 $0xFFFF8300  }
.Ltmp0:
0x68: {  	_ =	swait.ge [sflag:s23], $0x7D00;
	(pc) =	sbr.rel @!p0 .LBB2_2-.Ltmp0, $4  }
0x69: {  	[sflag:s23] =	ssyncset.done $0x0  }
0x6a: {  	[sflag:s23] =	ssyncadd.s32 $0xFFFF8300  }
0x6b: {  	_ =	swait.ge [sflag:s28], $0x7D00  }
0x6c: {  	s25 =	sadd.s32 $0xFFFFFFFF, s1;
	[sflag:s28] =	ssyncset.done $0x0  }
.LBB2_1:
0x6d: {  	p0 =	sne.s32 s25, $0x1;
	s25 =	sadd.s32 $0xFFFFFFFF, s25;
	[sflag:s28] =	ssyncadd.s32 $0xFFFF8300  }
0x6e: {  	[tilespmem:s2], [sflag:$0x1] =	stream.linear.gather [hbm4b:s3+s2], $0x7D00, $0x38;
	[tilespmem:$0x1F400] =	vst v63  }
0x6f: {  	_ = 	snop  }
0x70: {  	[tilespmem:s5], [sflag:$0x2] =	stream.linear.gather [hbm4b:s4+s2], $0x7D00, $0x38;
	[tilespmem:$0x1F400] =	vst v63  }
0x71: {  	_ =	swait.ge [sflag:s6], $0x7D00  }
0x72: {  	[sflag:s6] =	ssyncset.done $0x0  }
0x73: {  	[sflag:s6] =	ssyncadd.s32 $0xFFFF8300  }
0x74: {  	[hbm4b:s7+s2] =	stream.linear.scatter [tilespmem:s2], [sflag:$0x5], $0x7D00, $0x38;
	[tilespmem:$0x1F400] =	vst v63  }
0x75: {  	_ = 	snop  }
0x76: {  	[tilespmem:s9], [sflag:$0x3] =	stream.linear.gather [hbm4b:s8+s2], $0x7D00, $0x38;
	[tilespmem:$0x1F400] =	vst v63  }
0x77: {  	_ =	swait.ge [sflag:s10], $0x7D00  }
0x78: {  	[sflag:s10] =	ssyncset.done $0x0  }
0x79: {  	[sflag:s10] =	ssyncadd.s32 $0xFFFF8300  }
0x7a: {  	[hbm4b:s11+s2] =	stream.linear.scatter [tilespmem:s5], [sflag:$0x6], $0x7D00, $0x38;
	[tilespmem:$0x1F400] =	vst v63  }
0x7b: {  	_ = 	snop  }
0x7c: {  	[tilespmem:s13], [sflag:$0x4] =	stream.linear.gather [hbm4b:s12+s2], $0x7D00, $0x38;
	[tilespmem:$0x1F400] =	vst v63  }
0x7d: {  	_ =	swait.ge [sflag:s14], $0x7D00  }
0x7e: {  	[sflag:s14] =	ssyncset.done $0x0  }
0x7f: {  	[sflag:s14] =	ssyncadd.s32 $0xFFFF8300  }
0x80: {  	[hbm4b:s15+s2] =	stream.linear.scatter [tilespmem:s9], [sflag:$0x7], $0x7D00, $0x38;
	[tilespmem:$0x1F400] =	vst v63  }
0x81: {  	_ =	swait.ge [sflag:s16], $0x7D00  }
0x82: {  	[sflag:s16] =	ssyncset.done $0x0  }
0x83: {  	[sflag:s16] =	ssyncadd.s32 $0xFFFF8300  }
0x84: {  	[tilespmem:s2], [sflag:$0x1] =	stream.linear.gather [hbm4b:s17+s2], $0x7D00, $0x38;
	[tilespmem:$0x1F400] =	vst v63  }
0x85: {  	_ =	swait.ge [sflag:s18], $0x7D00  }
0x86: {  	[sflag:s18] =	ssyncset.done $0x0  }
0x87: {  	[sflag:s18] =	ssyncadd.s32 $0xFFFF8300  }
0x88: {  	[hbm4b:s19+s2] =	stream.linear.scatter [tilespmem:s13], [sflag:$0x8], $0x7D00, $0x38;
	[tilespmem:$0x1F400] =	vst v63  }
0x89: {  	_ =	swait.ge [sflag:s20], $0x7D00  }
0x8a: {  	[sflag:s20] =	ssyncset.done $0x0  }
0x8b: {  	[sflag:s20] =	ssyncadd.s32 $0xFFFF8300  }
0x8c: {  	[tilespmem:s5], [sflag:$0x2] =	stream.linear.gather [hbm4b:s21+s2], $0x7D00, $0x38;
	[tilespmem:$0x1F400] =	vst v63  }
0x8d: {  	_ =	swait.ge [sflag:s6], $0x7D00  }
0x8e: {  	[sflag:s6] =	ssyncset.done $0x0  }
0x8f: {  	[sflag:s6] =	ssyncadd.s32 $0xFFFF8300  }
0x90: {  	[hbm4b:s22+s2] =	stream.linear.scatter [tilespmem:s2], [sflag:$0x5], $0x7D00, $0x38;
	[tilespmem:$0x1F400] =	vst v63  }
0x91: {  	_ =	swait.ge [sflag:s23], $0x7D00  }
0x92: {  	[sflag:s23] =	ssyncset.done $0x0  }
0x93: {  	[sflag:s23] =	ssyncadd.s32 $0xFFFF8300  }
0x94: {  	[tilespmem:s9], [sflag:$0x3] =	stream.linear.gather [hbm4b:s24+s2], $0x7D00, $0x38;
	[tilespmem:$0x1F400] =	vst v63  }
0x95: {  	_ =	swait.ge [sflag:s10], $0x7D00  }
0x96: {  	[sflag:s10] =	ssyncset.done $0x0  }
0x97: {  	[sflag:s10] =	ssyncadd.s32 $0xFFFF8300  }
0x98: {  	[hbm4b:s26+s2] =	stream.linear.scatter [tilespmem:s5], [sflag:$0x6], $0x7D00, $0x38;
	[tilespmem:$0x1F400] =	vst v63  }
0x99: {  	_ =	swait.ge [sflag:s28], $0x7D00  }
0x9a: {  	[sflag:s28] =	ssyncset.done $0x0  }
0x9b: {  	[sflag:s28] =	ssyncadd.s32 $0xFFFF8300  }
0x9c: {  	[tilespmem:s13], [sflag:$0x4] =	stream.linear.gather [hbm4b:s29+s2], $0x7D00, $0x38;
	[tilespmem:$0x1F400] =	vst v63  }
0x9d: {  	_ =	swait.ge [sflag:s14], $0x7D00  }
0x9e: {  	[sflag:s14] =	ssyncset.done $0x0  }
0x9f: {  	[sflag:s14] =	ssyncadd.s32 $0xFFFF8300  }
0xa0: {  	[hbm4b:s30+s2] =	stream.linear.scatter [tilespmem:s9], [sflag:$0x7], $0x7D00, $0x38;
	[tilespmem:$0x1F400] =	vst v63  }
0xa1: {  	_ =	swait.ge [sflag:s18], $0x7D00  }
0xa2: {  	[sflag:s18] =	ssyncset.done $0x0  }
0xa3: {  	[sflag:s18] =	ssyncadd.s32 $0xFFFF8300  }
0xa4: {  	[hbm4b:s31+s2] =	stream.linear.scatter [tilespmem:s13], [sflag:$0x8], $0x7D00, $0x38;
	[tilespmem:$0x1F400] =	vst v63  }
0xa5: {  	_ =	swait.ge [sflag:s16], $0x7D00  }
0xa6: {  	[sflag:s16] =	ssyncset.done $0x0  }
0xa7: {  	[sflag:s16] =	ssyncadd.s32 $0xFFFF8300  }
0xa8: {  	_ =	swait.ge [sflag:s20], $0x7D00  }
0xa9: {  	[sflag:s20] =	ssyncset.done $0x0  }
0xaa: {  	[sflag:s20] =	ssyncadd.s32 $0xFFFF8300  }
.Ltmp1:
0xab: {  	_ =	swait.ge [sflag:s23], $0x7D00;
	(pc) =	sbr.rel @p0 .LBB2_1-.Ltmp1, $4  }
0xac: {  	[sflag:s23] =	ssyncset.done $0x0  }
0xad: {  	[sflag:s23] =	ssyncadd.s32 $0xFFFF8300  }
0xae: {  	_ =	swait.ge [sflag:s28], $0x7D00  }
0xaf: {  	[sflag:s28] =	ssyncset.done $0x0  }
.LBB2_2:
0xb0: {  	[sflag:s28] =	ssyncadd.s32 $0xFFFF8300  }
0xb1: {  	_ =	sfence.sel $0x180000  }
0xb2: {  	[bflag:$0x0] =	sbarrier.arrive $0xFFFF  }
0xb3: {  	_ =	strace $0x90000047  }
0xb4: {  	[bflag:$0x2] =	sbarrier.arrive $0xFFFF  }
0xb5: {  	p0 =	sne.s32 s0, $0x0;
	s0 =	rddreg [dreg:$0x2]  }
0xb6: {  	s0 =	sadd.s32 @!p0 $0x100000, s0  }
0xb7: {  	[sflag:s0] =	ssyncadd.tile.s32 @!p0 $0x1;
	_ =	shalt  }
.Lfunc_end2:
_tile_overlayer_lowered:
.L_overlay_start_2:
0xb8: {  	(tag) =	ssettag $0x2  }
0xb9: {  	s0 =	rddreg [dreg:$0x0];
	s2 =	stileid.u32  }
0xba: {  	s1 =	rddreg [dreg:$0x1];
	p0 =	sne.s32 s2, $0x0  }
0xbb: {  	s3 =	rddreg [dreg:$0x2];
	[bflag:$0x3] =	sbarrier.arrive $0xFFFF;
	s2 =	simm.s32 @!p0 $0x1C09  }
0xbc: {  	[timem:s3], [sflag:s2] =	dma.local @!p0 [hbm:s0], s1  }
0xbd: {  	s0 =	simm.s32 @!p0 $0x9  }
0xbe: {  	_ =	swait.ge @!p0 [sflag:s0], s1  }
0xbf: {  	s1 =	ssub.s32 @!p0 $0x0, s1;
	[sflag:s0] =	ssyncset.done @!p0 $0x0  }
0xc0: {  	[sflag:s0] =	ssyncadd.s32 @!p0 s1  }
0xc1: {  	[bflag:$0x3] =	sbarrier.arrive $0xFFFF  }
0xc2: {  	_ =	shalt  }

</sc_bundles>
